<compile_context>
chip_gen: v7x
topology: tpu7x:2x2x1
jax: 0.10.2.dev20260603
libtpu: 0.0.44.dev20260713+nightly
codegen_flags: <defaults>
</compile_context>

<pallas_src>
import functools

import jax
import jax.numpy as jnp
from jax import lax
from jax.experimental import pallas as pl
from jax.experimental.pallas import tpu as pltpu
from jax.experimental.pallas import tpu_sc as plsc

QUEUE = 65536
DIM = 128
BATCH = 64
INV_T = 1.0 / 0.07
TOPK = 5
W = 2048
NB = QUEUE // W
NWORK = 32
ROWS_PER_W = BATCH // NWORK
GT_CHUNK = QUEUE // NWORK

_BIG = 2e9


def _top5_iter(vals, idxs, gts):
    out_v, out_i, out_g = [], [], []
    x = vals
    for _ in range(TOPK):
        m = jnp.max(x, axis=1, keepdims=True)
        is_m = x == m
        sel = jnp.min(jnp.where(is_m, idxs, _BIG), axis=1, keepdims=True)
        sel_mask = idxs == sel
        g = jnp.min(jnp.where(sel_mask, gts, _BIG), axis=1, keepdims=True)
        out_v.append(m)
        out_i.append(sel)
        out_g.append(g)
        x = jnp.where(sel_mask, -jnp.inf, x)
    return out_v, out_i, out_g


def _tc_body(q_ref, k_ref, o_ref, lab_ref, mem_ref, rel_ref, gt_ref,
             out_ref, new_mem_ref, new_rel_ref, topidx_ref, mining_ref,
             run_val, run_idx, run_gt, carry):
    j = pl.program_id(0)

    @pl.when(j == 0)
    def _init():
        run_val[...] = jnp.full((BATCH, 8), -jnp.inf, jnp.float32)
        run_idx[...] = jnp.full((BATCH, 8), _BIG, jnp.float32)
        run_gt[...] = jnp.full((BATCH, 8), _BIG, jnp.float32)
        carry[...] = jnp.sum(q_ref[...] * k_ref[...], axis=1, keepdims=True)

    @pl.when(j < NB)
    def _block():
        mem = mem_ref[...]
        rel = rel_ref[...]
        q = q_ref[...]
        o = o_ref[...]
        dims = (((1,), (1,)), ((), ()))
        lneg = lax.dot_general(q, mem, dims,
                               preferred_element_type=jnp.float32)
        sim = lax.dot_general(o, rel, dims,
                              preferred_element_type=jnp.float32)

        prev = carry[...]
        out_ref[...] = jnp.concatenate([prev, lneg[:, :W - 1]], axis=1) * INV_T
        carry[...] = lneg[:, W - 1:W]

        @pl.when(j == 0)
        def _copy0():
            new_mem_ref[0:BATCH, :] = k_ref[...]
            new_mem_ref[BATCH:W, :] = mem[BATCH:W, :]
            new_rel_ref[0:BATCH, :] = o
            new_rel_ref[BATCH:W, :] = rel[BATCH:W, :]

        @pl.when(j > 0)
        def _copyj():
            new_mem_ref[...] = mem
            new_rel_ref[...] = rel

        colf = ((lax.broadcasted_iota(jnp.int32, (BATCH, W), 1)
                 + j * W).astype(jnp.float32))
        gtf = jnp.broadcast_to(
            gt_ref[...].reshape(1, W).astype(jnp.float32), (BATCH, W))
        bv, bi, bg = _top5_iter(sim, colf, gtf)
        pad = [jnp.full((BATCH, 3), -jnp.inf, jnp.float32)]
        pad_i = [jnp.full((BATCH, 3), _BIG, jnp.float32)]
        cval = jnp.concatenate([run_val[...]] + bv + pad, axis=1)
        cidx = jnp.concatenate([run_idx[...]] + bi + pad_i, axis=1)
        cgt = jnp.concatenate([run_gt[...]] + bg + pad_i, axis=1)
        mv, mi, mg = _top5_iter(cval, cidx, cgt)
        run_val[...] = jnp.concatenate(mv + pad, axis=1)
        run_idx[...] = jnp.concatenate(mi + pad_i, axis=1)
        run_gt[...] = jnp.concatenate(mg + pad_i, axis=1)

    @pl.when(j == NB)
    def _final():
        tail = jnp.zeros((BATCH, W - 1), jnp.float32)
        out_ref[...] = jnp.concatenate([carry[...], tail], axis=1) * INV_T
        lane = lax.broadcasted_iota(jnp.int32, (BATCH, 16), 1)
        idx16 = jnp.concatenate(
            [run_idx[...], jnp.zeros((BATCH, 8), jnp.float32)], axis=1)
        topidx_ref[...] = jnp.where(lane < TOPK, idx16.astype(jnp.int32), 0)
        labf = lab_ref[...].astype(jnp.float32)
        match = (run_gt[...][:, :TOPK] == labf).astype(jnp.float32)
        mining_ref[...] = jnp.full((1, 1), jnp.sum(match), jnp.float32)


def _tc_call(q, k, o, labels, memory, relation_memory, ground_truth):
    last = NB - 1
    return pl.pallas_call(
        _tc_body,
        grid=(NB + 1,),
        in_specs=[
            pl.BlockSpec((BATCH, DIM), lambda j: (0, 0)),
            pl.BlockSpec((BATCH, DIM), lambda j: (0, 0)),
            pl.BlockSpec((BATCH, DIM), lambda j: (0, 0)),
            pl.BlockSpec((BATCH, 1), lambda j: (0, 0)),
            pl.BlockSpec((W, DIM), lambda j: (jnp.minimum(j, last), 0)),
            pl.BlockSpec((W, DIM), lambda j: (jnp.minimum(j, last), 0)),
            pl.BlockSpec((1, 1, W), lambda j: (jnp.minimum(j, last), 0, 0)),
        ],
        out_specs=[
            pl.BlockSpec((BATCH, W), lambda j: (0, j)),
            pl.BlockSpec((W, DIM), lambda j: (jnp.minimum(j, last), 0)),
            pl.BlockSpec((W, DIM), lambda j: (jnp.minimum(j, last), 0)),
            pl.BlockSpec((BATCH, 16), lambda j: (0, 0)),
            pl.BlockSpec((1, 1), lambda j: (0, 0)),
        ],
        out_shape=[
            jax.ShapeDtypeStruct((BATCH, QUEUE + 1), jnp.float32),
            jax.ShapeDtypeStruct((QUEUE, DIM), jnp.float32),
            jax.ShapeDtypeStruct((QUEUE, DIM), jnp.float32),
            jax.ShapeDtypeStruct((BATCH, 16), jnp.int32),
            jax.ShapeDtypeStruct((1, 1), jnp.float32),
        ],
        scratch_shapes=[
            pltpu.VMEM((BATCH, 8), jnp.float32),
            pltpu.VMEM((BATCH, 8), jnp.float32),
            pltpu.VMEM((BATCH, 8), jnp.float32),
            pltpu.VMEM((BATCH, 1), jnp.float32),
        ],
    )(q, k, o, labels.reshape(BATCH, 1), memory, relation_memory,
      ground_truth.reshape(NB, 1, W))


def _sc_body(topidx_hbm, labels_hbm, gt_hbm,
             target_hbm, newgt_hbm,
             rowbuf, idx_v, lab_v, gtc_v, sem):
    cid = lax.axis_index("c")
    sid = lax.axis_index("s")
    wid = sid * 2 + cid
    iota16 = lax.iota(jnp.int32, 16)

    base = wid * GT_CHUNK
    pltpu.sync_copy(gt_hbm.at[pl.ds(base, GT_CHUNK)], gtc_v)

    @pl.when(wid == 0)
    def _splice():
        pltpu.sync_copy(labels_hbm, lab_v)
        for s in range(BATCH // 16):
            gtc_v[pl.ds(s * 16, 16)] = lab_v[pl.ds(s * 16, 16)]

    pltpu.sync_copy(gtc_v, newgt_hbm.at[pl.ds(base, GT_CHUNK)])

    pltpu.sync_copy(topidx_hbm, idx_v)

    def _zero(i, c):
        rowbuf[pl.ds(i * 16, 16)] = jnp.zeros((16,), jnp.float32)
        return c

    lax.fori_loop(0, QUEUE // 16, _zero, 0, unroll=8)

    msk = iota16 < TOPK
    ones = jnp.ones((16,), jnp.float32)
    zeros = jnp.zeros((16,), jnp.float32)
    for rr in range(ROWS_PER_W):
        r = wid * ROWS_PER_W + rr
        it16 = idx_v[pl.ds(r * 16, 16)]
        plsc.store_scatter(rowbuf, [it16], ones, mask=msk)
        pltpu.sync_copy(rowbuf, target_hbm.at[r])
        plsc.store_scatter(rowbuf, [it16], zeros, mask=msk)


@functools.cache
def _sc_call_cached():
    return functools.partial(
        pl.kernel,
        out_type=[
            jax.ShapeDtypeStruct((BATCH, QUEUE), jnp.float32),
            jax.ShapeDtypeStruct((QUEUE,), jnp.int32),
        ],
        mesh=plsc.VectorSubcoreMesh(core_axis_name="c", subcore_axis_name="s"),
        compiler_params=pltpu.CompilerParams(needs_layout_passes=False),
        scratch_types=[
            pltpu.VMEM((QUEUE,), jnp.float32),
            pltpu.VMEM((BATCH * 16,), jnp.int32),
            pltpu.VMEM((BATCH,), jnp.int32),
            pltpu.VMEM((GT_CHUNK,), jnp.int32),
            pltpu.SemaphoreType.DMA,
        ],
    )(_sc_body)


def kernel(q, k, o, labels, memory, relation_memory, ground_truth):
    out, new_memory, new_relation_memory, top_idx, mining = _tc_call(
        q, k, o, labels, memory, relation_memory, ground_truth)
    target, new_ground_truth = _sc_call_cached()(
        top_idx.reshape(-1), labels, ground_truth)
    mining_num = mining[0, 0]
    return (out, target, mining_num, new_memory, new_relation_memory,
            new_ground_truth)

# --- scband reference (transcript-rebuilt; emitter-appended) ---
"""Pipeline reference for scband-memory-mo-co-4793183502551 (READ-ONLY COPY).

The authoritative reference and input builder live on the scoring server;
editing this copy changes nothing except your own understanding.
"""

import jax, jax.numpy as jnp
import numpy as np
import math

QUEUE_SIZE = 65536
DIM = 128
BATCH = 64
NUM_CLASSES = 1000
T = 0.07
TOPK = 5


def setup_inputs(seed: int = 0) -> dict:
    key = jax.random.key(seed)
    k1, k2, k3, k4, k5, k6, k7 = jax.random.split(key, 7)
    stdv = 1.0 / math.sqrt(DIM / 3)
    q = jax.random.normal(k1, (BATCH, DIM), dtype=jnp.float32)
    k = jax.random.normal(k2, (BATCH, DIM), dtype=jnp.float32)
    o = jax.random.normal(k3, (BATCH, DIM), dtype=jnp.float32)
    labels = jax.random.randint(k4, (BATCH,), 0, NUM_CLASSES, dtype=jnp.int32)
    memory = jax.random.uniform(k5, (QUEUE_SIZE, DIM), dtype=jnp.float32, minval=-stdv, maxval=stdv)
    relation_memory = jax.random.uniform(k6, (QUEUE_SIZE, DIM), dtype=jnp.float32, minval=-stdv, maxval=stdv)
    ground_truth = jax.random.randint(k7, (QUEUE_SIZE,), 0, NUM_CLASSES, dtype=jnp.int32)
    return {"q": q, "k": k, "o": o, "labels": labels, "memory": memory, "relation_memory": relation_memory, "ground_truth": ground_truth}


def reference(q, k, o, labels, memory, relation_memory, ground_truth):
    batch = q.shape[0]
    # k = k.detach(); o = o.detach()
    k = jax.lax.stop_gradient(k)
    o = jax.lax.stop_gradient(o)
    # l_pos = bmm(q[B,1,d], k[B,d,1])
    l_pos = jnp.sum(q * k, axis=1, keepdims=True)  # [B, 1]
    # queue = memory.clone().detach(); l_neg = (queue @ q.T).T
    queue = jax.lax.stop_gradient(memory)
    l_neg = jnp.matmul(q, queue.T)  # [B, K]
    # similarity = (relation_queue @ o.T).T
    relation_queue = jax.lax.stop_gradient(relation_memory)
    similarity = jnp.matmul(o, relation_queue.T)  # [B, K]
    # selection == 'topk': scatter 1s at top-k indices
    _, top_idx = jax.lax.top_k(similarity, TOPK)  # [B, TOPK]
    rows = jnp.arange(batch)[:, None]
    target = jnp.zeros_like(similarity).at[rows, top_idx].set(1.0)  # [B, K] multi-hot
    # mining_num: count of nonzero (i,j) in target where labels[i] == ground_truth[j]
    match = (labels[:, None] == ground_truth[None, :]).astype(jnp.float32)
    mining_num = jnp.sum(target * match)
    # out = cat(l_pos, l_neg) / T
    out = jnp.concatenate([l_pos, l_neg], axis=1) / T  # [B, 1+K]
    # ring-buffer scatter update (index_copy_), self.index starts at 0
    out_ids = jnp.mod(jnp.arange(batch, dtype=jnp.int32), QUEUE_SIZE)
    new_memory = memory.at[out_ids].set(k)
    new_relation_memory = relation_memory.at[out_ids].set(o)
    new_ground_truth = ground_truth.at[out_ids].set(labels)
    return out, target, mining_num, new_memory, new_relation_memory, new_ground_truth

if __name__ == "__main__":
    import jax
    _d = setup_inputs()
    print(jax.jit(kernel)(*tuple(_d.values())))

</pallas_src>

<mosaic_0001>
#map = affine_map<(d0, d1) -> (0)>
#map1 = affine_map<(d0, d1) -> (0, 0)>
module attributes {stable_mosaic.version = 14 : i64} {
  func.func @_sc_body(%arg0: i32, %arg1: i32, %arg2: memref<1024xi32, #tpu.memory_space<hbm>>, %arg3: memref<64xi32, #tpu.memory_space<hbm>>, %arg4: memref<65536xi32, #tpu.memory_space<hbm>>, %arg5: memref<64x65536xf32, #tpu.memory_space<hbm>>, %arg6: memref<65536xi32, #tpu.memory_space<hbm>>, %arg7: memref<65536xf32, #tpu.memory_space<vmem>>, %arg8: memref<1024xi32, #tpu.memory_space<vmem>>, %arg9: memref<64xi32, #tpu.memory_space<vmem>>, %arg10: memref<2048xi32, #tpu.memory_space<vmem>>, %arg11: memref<!tpu.dma_semaphore, #tpu.memory_space<semaphore_mem>>) attributes {dimension_semantics = [#tpu.dimension_semantics<core_parallel>, #tpu.dimension_semantics<subcore_parallel>], iteration_bounds = array<i64: 2, 16>, scalar_prefetch = 0 : i64, scratch_operands = 5 : i64, tpu.core_type = #tpu.core_type<sc_vector_subcore>, window_params = [{transform_indices = #map}, {transform_indices = #map}, {transform_indices = #map}, {transform_indices = #map1}, {transform_indices = #map}]} {
    %mul3A = arith.constant 2 : i32
    %mul3A_0 = arith.muli %arg1, %mul3A : i32
    %add3A = arith.addi %mul3A_0, %arg0 : i32
    %iota3A = tpu.iota {dimensions = array<i32: 0>} : vector<16xi32>
    %mul3A_1 = arith.constant 2048 : i32
    %mul3A_2 = arith.muli %add3A, %mul3A_1 : i32
    "tpu.region"() ({
      %run_scoped3A = tpu.sem_alloc : memref<!tpu.dma_semaphore, #tpu.memory_space<semaphore_mem>>
      %dma_start3A = tpu.memref_slice %arg4[%mul3A_2] : memref<65536xi32, #tpu.memory_space<hbm>> -> memref<2048xi32, #tpu.memory_space<hbm>>
      %dma_start3A_30 = tpu.memref_slice %arg4[%mul3A_2] : memref<65536xi32, #tpu.memory_space<hbm>> -> memref<2048xi32, #tpu.memory_space<hbm>>
      tpu.enqueue_dma source(%dma_start3A_30 : memref<2048xi32, #tpu.memory_space<hbm>>) target(%arg10 : memref<2048xi32, #tpu.memory_space<vmem>>) target_semaphore(%run_scoped3A : memref<!tpu.dma_semaphore, #tpu.memory_space<semaphore_mem>>)
      %dma_wait3A = tpu.memref_slice %arg4[%mul3A_2] : memref<65536xi32, #tpu.memory_space<hbm>> -> memref<2048xi32, #tpu.memory_space<hbm>>
      %dma_wait3A_31 = tpu.memref_slice %arg4[%mul3A_2] : memref<65536xi32, #tpu.memory_space<hbm>> -> memref<2048xi32, #tpu.memory_space<hbm>>
      tpu.wait_dma2 semaphore(%run_scoped3A : memref<!tpu.dma_semaphore, #tpu.memory_space<semaphore_mem>>) src(%dma_wait3A_31 : memref<2048xi32, #tpu.memory_space<hbm>>) dst(%arg10 : memref<2048xi32, #tpu.memory_space<vmem>>)
      tpu.yield
    }) : () -> ()
    %eq3A = arith.constant 0 : i32
    %eq3A_3 = arith.cmpi eq, %add3A, %eq3A : i32
    %convert_element_type3A = arith.extui %eq3A_3 : i1 to i32
    %cond3A = arith.constant 0 : i32
    %cond3A_4 = arith.cmpi ne, %convert_element_type3A, %cond3A : i32
    scf.if %cond3A_4 {
      "tpu.region"() ({
        %run_scoped3A = tpu.sem_alloc : memref<!tpu.dma_semaphore, #tpu.memory_space<semaphore_mem>>
        tpu.enqueue_dma source(%arg3 : memref<64xi32, #tpu.memory_space<hbm>>) target(%arg9 : memref<64xi32, #tpu.memory_space<vmem>>) target_semaphore(%run_scoped3A : memref<!tpu.dma_semaphore, #tpu.memory_space<semaphore_mem>>)
        tpu.wait_dma2 semaphore(%run_scoped3A : memref<!tpu.dma_semaphore, #tpu.memory_space<semaphore_mem>>) src(%arg3 : memref<64xi32, #tpu.memory_space<hbm>>) dst(%arg9 : memref<64xi32, #tpu.memory_space<vmem>>)
        tpu.yield
      }) : () -> ()
      %get3A_30 = arith.constant 0 : index
      %get3A_31 = tpu.vector_load %arg9[%get3A_30] {strides = array<i32>} : memref<64xi32, #tpu.memory_space<vmem>>, vector<16xi32>,
      %swap3A = arith.constant 0 : index
      %swap3A_32 = tpu.vector_load %arg10[%swap3A] {strides = array<i32>} : memref<2048xi32, #tpu.memory_space<vmem>>, vector<16xi32>,
      tpu.vector_store %arg10[%swap3A], %get3A_31 {strides = array<i32>} : memref<2048xi32, #tpu.memory_space<vmem>>, vector<16xi32>,
      %get3A_33 = arith.constant 16 : index
      %get3A_34 = tpu.vector_load %arg9[%get3A_33] {strides = array<i32>} : memref<64xi32, #tpu.memory_space<vmem>>, vector<16xi32>,
      %swap3A_35 = arith.constant 16 : index
      %swap3A_36 = tpu.vector_load %arg10[%swap3A_35] {strides = array<i32>} : memref<2048xi32, #tpu.memory_space<vmem>>, vector<16xi32>,
      tpu.vector_store %arg10[%swap3A_35], %get3A_34 {strides = array<i32>} : memref<2048xi32, #tpu.memory_space<vmem>>, vector<16xi32>,
      %get3A_37 = arith.constant 32 : index
      %get3A_38 = tpu.vector_load %arg9[%get3A_37] {strides = array<i32>} : memref<64xi32, #tpu.memory_space<vmem>>, vector<16xi32>,
      %swap3A_39 = arith.constant 32 : index
      %swap3A_40 = tpu.vector_load %arg10[%swap3A_39] {strides = array<i32>} : memref<2048xi32, #tpu.memory_space<vmem>>, vector<16xi32>,
      tpu.vector_store %arg10[%swap3A_39], %get3A_38 {strides = array<i32>} : memref<2048xi32, #tpu.memory_space<vmem>>, vector<16xi32>,
      %get3A_41 = arith.constant 48 : index
      %get3A_42 = tpu.vector_load %arg9[%get3A_41] {strides = array<i32>} : memref<64xi32, #tpu.memory_space<vmem>>, vector<16xi32>,
      %swap3A_43 = arith.constant 48 : index
      %swap3A_44 = tpu.vector_load %arg10[%swap3A_43] {strides = array<i32>} : memref<2048xi32, #tpu.memory_space<vmem>>, vector<16xi32>,
      tpu.vector_store %arg10[%swap3A_43], %get3A_42 {strides = array<i32>} : memref<2048xi32, #tpu.memory_space<vmem>>, vector<16xi32>,
    } else {
    }
    "tpu.region"() ({
      %run_scoped3A = tpu.sem_alloc : memref<!tpu.dma_semaphore, #tpu.memory_space<semaphore_mem>>
      %dma_start3A = tpu.memref_slice %arg6[%mul3A_2] : memref<65536xi32, #tpu.memory_space<hbm>> -> memref<2048xi32, #tpu.memory_space<hbm>>
      %dma_start3A_30 = tpu.memref_slice %arg6[%mul3A_2] : memref<65536xi32, #tpu.memory_space<hbm>> -> memref<2048xi32, #tpu.memory_space<hbm>>
      tpu.enqueue_dma source(%arg10 : memref<2048xi32, #tpu.memory_space<vmem>>) target(%dma_start3A_30 : memref<2048xi32, #tpu.memory_space<hbm>>) target_semaphore(%run_scoped3A : memref<!tpu.dma_semaphore, #tpu.memory_space<semaphore_mem>>)
      %dma_wait3A = tpu.memref_slice %arg6[%mul3A_2] : memref<65536xi32, #tpu.memory_space<hbm>> -> memref<2048xi32, #tpu.memory_space<hbm>>
      %dma_wait3A_31 = tpu.memref_slice %arg6[%mul3A_2] : memref<65536xi32, #tpu.memory_space<hbm>> -> memref<2048xi32, #tpu.memory_space<hbm>>
      tpu.wait_dma2 semaphore(%run_scoped3A : memref<!tpu.dma_semaphore, #tpu.memory_space<semaphore_mem>>) src(%arg10 : memref<2048xi32, #tpu.memory_space<vmem>>) dst(%dma_wait3A_31 : memref<2048xi32, #tpu.memory_space<hbm>>)
      tpu.yield
    }) : () -> ()
    "tpu.region"() ({
      %run_scoped3A = tpu.sem_alloc : memref<!tpu.dma_semaphore, #tpu.memory_space<semaphore_mem>>
      tpu.enqueue_dma source(%arg2 : memref<1024xi32, #tpu.memory_space<hbm>>) target(%arg8 : memref<1024xi32, #tpu.memory_space<vmem>>) target_semaphore(%run_scoped3A : memref<!tpu.dma_semaphore, #tpu.memory_space<semaphore_mem>>)
      tpu.wait_dma2 semaphore(%run_scoped3A : memref<!tpu.dma_semaphore, #tpu.memory_space<semaphore_mem>>) src(%arg2 : memref<1024xi32, #tpu.memory_space<hbm>>) dst(%arg8 : memref<1024xi32, #tpu.memory_space<vmem>>)
      tpu.yield
    }) : () -> ()
    %scan3A = arith.constant 0 : i32
    %scan3A_5 = arith.constant 0 : i32
    %scan3A_6 = arith.constant 4096 : i32
    %scan3A_7 = arith.addi %scan3A_5, %scan3A_6 : i32
    %scan3A_8 = arith.constant 8 : i32
    scf.for %scan3A_30 = %scan3A_5 to %scan3A_7 step %scan3A_8  : i32 {
      %broadcast_in_dim3A_31 = arith.constant 0.000000e+00 : f32
      %broadcast_in_dim3A_32 = vector.broadcast %broadcast_in_dim3A_31 : f32 to vector<16xf32>
      %mul3A_33 = arith.constant 16 : i32
      %mul3A_34 = arith.muli %scan3A_30, %mul3A_33 : i32
      %swap3A = arith.index_cast %mul3A_34 : i32 to index
      %swap3A_35 = tpu.vector_load %arg7[%swap3A] {strides = array<i32>} : memref<65536xf32, #tpu.memory_space<vmem>>, vector<16xf32>,
      tpu.vector_store %arg7[%swap3A], %broadcast_in_dim3A_32 {strides = array<i32>} : memref<65536xf32, #tpu.memory_space<vmem>>, vector<16xf32>,
      %scan3A_36 = arith.constant 1 : i32
      %scan3A_37 = arith.addi %scan3A_30, %scan3A_36 : i32
      %broadcast_in_dim3A_38 = arith.constant 0.000000e+00 : f32
      %broadcast_in_dim3A_39 = vector.broadcast %broadcast_in_dim3A_38 : f32 to vector<16xf32>
      %mul3A_40 = arith.constant 16 : i32
      %mul3A_41 = arith.muli %scan3A_37, %mul3A_40 : i32
      %swap3A_42 = arith.index_cast %mul3A_41 : i32 to index
      %swap3A_43 = tpu.vector_load %arg7[%swap3A_42] {strides = array<i32>} : memref<65536xf32, #tpu.memory_space<vmem>>, vector<16xf32>,
      tpu.vector_store %arg7[%swap3A_42], %broadcast_in_dim3A_39 {strides = array<i32>} : memref<65536xf32, #tpu.memory_space<vmem>>, vector<16xf32>,
      %scan3A_44 = arith.constant 2 : i32
      %scan3A_45 = arith.addi %scan3A_30, %scan3A_44 : i32
      %broadcast_in_dim3A_46 = arith.constant 0.000000e+00 : f32
      %broadcast_in_dim3A_47 = vector.broadcast %broadcast_in_dim3A_46 : f32 to vector<16xf32>
      %mul3A_48 = arith.constant 16 : i32
      %mul3A_49 = arith.muli %scan3A_45, %mul3A_48 : i32
      %swap3A_50 = arith.index_cast %mul3A_49 : i32 to index
      %swap3A_51 = tpu.vector_load %arg7[%swap3A_50] {strides = array<i32>} : memref<65536xf32, #tpu.memory_space<vmem>>, vector<16xf32>,
      tpu.vector_store %arg7[%swap3A_50], %broadcast_in_dim3A_47 {strides = array<i32>} : memref<65536xf32, #tpu.memory_space<vmem>>, vector<16xf32>,
      %scan3A_52 = arith.constant 3 : i32
      %scan3A_53 = arith.addi %scan3A_30, %scan3A_52 : i32
      %broadcast_in_dim3A_54 = arith.constant 0.000000e+00 : f32
      %broadcast_in_dim3A_55 = vector.broadcast %broadcast_in_dim3A_54 : f32 to vector<16xf32>
      %mul3A_56 = arith.constant 16 : i32
      %mul3A_57 = arith.muli %scan3A_53, %mul3A_56 : i32
      %swap3A_58 = arith.index_cast %mul3A_57 : i32 to index
      %swap3A_59 = tpu.vector_load %arg7[%swap3A_58] {strides = array<i32>} : memref<65536xf32, #tpu.memory_space<vmem>>, vector<16xf32>,
      tpu.vector_store %arg7[%swap3A_58], %broadcast_in_dim3A_55 {strides = array<i32>} : memref<65536xf32, #tpu.memory_space<vmem>>, vector<16xf32>,
      %scan3A_60 = arith.constant 4 : i32
      %scan3A_61 = arith.addi %scan3A_30, %scan3A_60 : i32
      %broadcast_in_dim3A_62 = arith.constant 0.000000e+00 : f32
      %broadcast_in_dim3A_63 = vector.broadcast %broadcast_in_dim3A_62 : f32 to vector<16xf32>
      %mul3A_64 = arith.constant 16 : i32
      %mul3A_65 = arith.muli %scan3A_61, %mul3A_64 : i32
      %swap3A_66 = arith.index_cast %mul3A_65 : i32 to index
      %swap3A_67 = tpu.vector_load %arg7[%swap3A_66] {strides = array<i32>} : memref<65536xf32, #tpu.memory_space<vmem>>, vector<16xf32>,
      tpu.vector_store %arg7[%swap3A_66], %broadcast_in_dim3A_63 {strides = array<i32>} : memref<65536xf32, #tpu.memory_space<vmem>>, vector<16xf32>,
      %scan3A_68 = arith.constant 5 : i32
      %scan3A_69 = arith.addi %scan3A_30, %scan3A_68 : i32
      %broadcast_in_dim3A_70 = arith.constant 0.000000e+00 : f32
      %broadcast_in_dim3A_71 = vector.broadcast %broadcast_in_dim3A_70 : f32 to vector<16xf32>
      %mul3A_72 = arith.constant 16 : i32
      %mul3A_73 = arith.muli %scan3A_69, %mul3A_72 : i32
      %swap3A_74 = arith.index_cast %mul3A_73 : i32 to index
      %swap3A_75 = tpu.vector_load %arg7[%swap3A_74] {strides = array<i32>} : memref<65536xf32, #tpu.memory_space<vmem>>, vector<16xf32>,
      tpu.vector_store %arg7[%swap3A_74], %broadcast_in_dim3A_71 {strides = array<i32>} : memref<65536xf32, #tpu.memory_space<vmem>>, vector<16xf32>,
      %scan3A_76 = arith.constant 6 : i32
      %scan3A_77 = arith.addi %scan3A_30, %scan3A_76 : i32
      %broadcast_in_dim3A_78 = arith.constant 0.000000e+00 : f32
      %broadcast_in_dim3A_79 = vector.broadcast %broadcast_in_dim3A_78 : f32 to vector<16xf32>
      %mul3A_80 = arith.constant 16 : i32
      %mul3A_81 = arith.muli %scan3A_77, %mul3A_80 : i32
      %swap3A_82 = arith.index_cast %mul3A_81 : i32 to index
      %swap3A_83 = tpu.vector_load %arg7[%swap3A_82] {strides = array<i32>} : memref<65536xf32, #tpu.memory_space<vmem>>, vector<16xf32>,
      tpu.vector_store %arg7[%swap3A_82], %broadcast_in_dim3A_79 {strides = array<i32>} : memref<65536xf32, #tpu.memory_space<vmem>>, vector<16xf32>,
      %scan3A_84 = arith.constant 7 : i32
      %scan3A_85 = arith.addi %scan3A_30, %scan3A_84 : i32
      %broadcast_in_dim3A_86 = arith.constant 0.000000e+00 : f32
      %broadcast_in_dim3A_87 = vector.broadcast %broadcast_in_dim3A_86 : f32 to vector<16xf32>
      %mul3A_88 = arith.constant 16 : i32
      %mul3A_89 = arith.muli %scan3A_85, %mul3A_88 : i32
      %swap3A_90 = arith.index_cast %mul3A_89 : i32 to index
      %swap3A_91 = tpu.vector_load %arg7[%swap3A_90] {strides = array<i32>} : memref<65536xf32, #tpu.memory_space<vmem>>, vector<16xf32>,
      tpu.vector_store %arg7[%swap3A_90], %broadcast_in_dim3A_87 {strides = array<i32>} : memref<65536xf32, #tpu.memory_space<vmem>>, vector<16xf32>,
    }
    %scan3A_9 = arith.constant 4096 : i32
    %lt3A = arith.constant 5 : i32
    %lt3A_10 = vector.broadcast %lt3A : i32 to vector<16xi32>
    %lt3A_11 = arith.cmpi slt, %iota3A, %lt3A_10 : vector<16xi32>
    %broadcast_in_dim3A = arith.constant 1.000000e+00 : f32
    %broadcast_in_dim3A_12 = vector.broadcast %broadcast_in_dim3A : f32 to vector<16xf32>
    %broadcast_in_dim3A_13 = arith.constant 0.000000e+00 : f32
    %broadcast_in_dim3A_14 = vector.broadcast %broadcast_in_dim3A_13 : f32 to vector<16xf32>
    %mul3A_15 = arith.constant 2 : i32
    %mul3A_16 = arith.muli %add3A, %mul3A_15 : i32
    %add3A_17 = arith.constant 0 : i32
    %add3A_18 = arith.addi %mul3A_16, %add3A_17 : i32
    %mul3A_19 = arith.constant 16 : i32
    %mul3A_20 = arith.muli %add3A_18, %mul3A_19 : i32
    %get3A = arith.index_cast %mul3A_20 : i32 to index
    %get3A_21 = tpu.vector_load %arg8[%get3A] {strides = array<i32>} : memref<1024xi32, #tpu.memory_space<vmem>>, vector<16xi32>,
    tpu.vector_store_idx %arg7[%get3A_21], %broadcast_in_dim3A_12 masked %lt3A_11 : memref<65536xf32, #tpu.memory_space<vmem>>[vector<16xi32>], vector<16xf32>, vector<16xi1>
    "tpu.region"() ({
      %run_scoped3A = tpu.sem_alloc : memref<!tpu.dma_semaphore, #tpu.memory_space<semaphore_mem>>
      %dma_start3A = arith.constant 0 : i32
      %dma_start3A_30 = tpu.memref_slice %arg5[%add3A_18, %dma_start3A] : memref<64x65536xf32, #tpu.memory_space<hbm>> -> memref<1x65536xf32, #tpu.memory_space<hbm>>
      %dma_start3A_31 = tpu.memref_squeeze %dma_start3A_30 : memref<1x65536xf32, #tpu.memory_space<hbm>> -> memref<65536xf32, #tpu.memory_space<hbm>>
      %dma_start3A_32 = arith.constant 0 : i32
      %dma_start3A_33 = tpu.memref_slice %arg5[%add3A_18, %dma_start3A_32] : memref<64x65536xf32, #tpu.memory_space<hbm>> -> memref<1x65536xf32, #tpu.memory_space<hbm>>
      %dma_start3A_34 = tpu.memref_squeeze %dma_start3A_33 : memref<1x65536xf32, #tpu.memory_space<hbm>> -> memref<65536xf32, #tpu.memory_space<hbm>>
      tpu.enqueue_dma source(%arg7 : memref<65536xf32, #tpu.memory_space<vmem>>) target(%dma_start3A_34 : memref<65536xf32, #tpu.memory_space<hbm>>) target_semaphore(%run_scoped3A : memref<!tpu.dma_semaphore, #tpu.memory_space<semaphore_mem>>)
      %dma_wait3A = arith.constant 0 : i32
      %dma_wait3A_35 = tpu.memref_slice %arg5[%add3A_18, %dma_wait3A] : memref<64x65536xf32, #tpu.memory_space<hbm>> -> memref<1x65536xf32, #tpu.memory_space<hbm>>
      %dma_wait3A_36 = tpu.memref_squeeze %dma_wait3A_35 : memref<1x65536xf32, #tpu.memory_space<hbm>> -> memref<65536xf32, #tpu.memory_space<hbm>>
      %dma_wait3A_37 = arith.constant 0 : i32
      %dma_wait3A_38 = tpu.memref_slice %arg5[%add3A_18, %dma_wait3A_37] : memref<64x65536xf32, #tpu.memory_space<hbm>> -> memref<1x65536xf32, #tpu.memory_space<hbm>>
      %dma_wait3A_39 = tpu.memref_squeeze %dma_wait3A_38 : memref<1x65536xf32, #tpu.memory_space<hbm>> -> memref<65536xf32, #tpu.memory_space<hbm>>
      tpu.wait_dma2 semaphore(%run_scoped3A : memref<!tpu.dma_semaphore, #tpu.memory_space<semaphore_mem>>) src(%arg7 : memref<65536xf32, #tpu.memory_space<vmem>>) dst(%dma_wait3A_39 : memref<65536xf32, #tpu.memory_space<hbm>>)
      tpu.yield
    }) : () -> ()
    tpu.vector_store_idx %arg7[%get3A_21], %broadcast_in_dim3A_14 masked %lt3A_11 : memref<65536xf32, #tpu.memory_space<vmem>>[vector<16xi32>], vector<16xf32>, vector<16xi1>
    %mul3A_22 = arith.constant 2 : i32
    %mul3A_23 = arith.muli %add3A, %mul3A_22 : i32
    %add3A_24 = arith.constant 1 : i32
    %add3A_25 = arith.addi %mul3A_23, %add3A_24 : i32
    %mul3A_26 = arith.constant 16 : i32
    %mul3A_27 = arith.muli %add3A_25, %mul3A_26 : i32
    %get3A_28 = arith.index_cast %mul3A_27 : i32 to index
    %get3A_29 = tpu.vector_load %arg8[%get3A_28] {strides = array<i32>} : memref<1024xi32, #tpu.memory_space<vmem>>, vector<16xi32>,
    tpu.vector_store_idx %arg7[%get3A_29], %broadcast_in_dim3A_12 masked %lt3A_11 : memref<65536xf32, #tpu.memory_space<vmem>>[vector<16xi32>], vector<16xf32>, vector<16xi1>
    "tpu.region"() ({
      %run_scoped3A = tpu.sem_alloc : memref<!tpu.dma_semaphore, #tpu.memory_space<semaphore_mem>>
      %dma_start3A = arith.constant 0 : i32
      %dma_start3A_30 = tpu.memref_slice %arg5[%add3A_25, %dma_start3A] : memref<64x65536xf32, #tpu.memory_space<hbm>> -> memref<1x65536xf32, #tpu.memory_space<hbm>>
      %dma_start3A_31 = tpu.memref_squeeze %dma_start3A_30 : memref<1x65536xf32, #tpu.memory_space<hbm>> -> memref<65536xf32, #tpu.memory_space<hbm>>
      %dma_start3A_32 = arith.constant 0 : i32
      %dma_start3A_33 = tpu.memref_slice %arg5[%add3A_25, %dma_start3A_32] : memref<64x65536xf32, #tpu.memory_space<hbm>> -> memref<1x65536xf32, #tpu.memory_space<hbm>>
      %dma_start3A_34 = tpu.memref_squeeze %dma_start3A_33 : memref<1x65536xf32, #tpu.memory_space<hbm>> -> memref<65536xf32, #tpu.memory_space<hbm>>
      tpu.enqueue_dma source(%arg7 : memref<65536xf32, #tpu.memory_space<vmem>>) target(%dma_start3A_34 : memref<65536xf32, #tpu.memory_space<hbm>>) target_semaphore(%run_scoped3A : memref<!tpu.dma_semaphore, #tpu.memory_space<semaphore_mem>>)
      %dma_wait3A = arith.constant 0 : i32
      %dma_wait3A_35 = tpu.memref_slice %arg5[%add3A_25, %dma_wait3A] : memref<64x65536xf32, #tpu.memory_space<hbm>> -> memref<1x65536xf32, #tpu.memory_space<hbm>>
      %dma_wait3A_36 = tpu.memref_squeeze %dma_wait3A_35 : memref<1x65536xf32, #tpu.memory_space<hbm>> -> memref<65536xf32, #tpu.memory_space<hbm>>
      %dma_wait3A_37 = arith.constant 0 : i32
      %dma_wait3A_38 = tpu.memref_slice %arg5[%add3A_25, %dma_wait3A_37] : memref<64x65536xf32, #tpu.memory_space<hbm>> -> memref<1x65536xf32, #tpu.memory_space<hbm>>
      %dma_wait3A_39 = tpu.memref_squeeze %dma_wait3A_38 : memref<1x65536xf32, #tpu.memory_space<hbm>> -> memref<65536xf32, #tpu.memory_space<hbm>>
      tpu.wait_dma2 semaphore(%run_scoped3A : memref<!tpu.dma_semaphore, #tpu.memory_space<semaphore_mem>>) src(%arg7 : memref<65536xf32, #tpu.memory_space<vmem>>) dst(%dma_wait3A_39 : memref<65536xf32, #tpu.memory_space<hbm>>)
      tpu.yield
    }) : () -> ()
    tpu.vector_store_idx %arg7[%get3A_29], %broadcast_in_dim3A_14 masked %lt3A_11 : memref<65536xf32, #tpu.memory_space<vmem>>[vector<16xi32>], vector<16xf32>, vector<16xi1>
    return
  }
}

module attributes {stable_mosaic.version = 14 : i64} {
  func.func @_tc_body(%arg0: i32, %arg1: memref<64x128xf32, #tpu.memory_space<vmem>>, %arg2: memref<64x128xf32, #tpu.memory_space<vmem>>, %arg3: memref<64x128xf32, #tpu.memory_space<vmem>>, %arg4: memref<64x1xi32, #tpu.memory_space<vmem>>, %arg5: memref<2048x128xf32, #tpu.memory_space<vmem>>, %arg6: memref<2048x128xf32, #tpu.memory_space<vmem>>, %arg7: memref<1x1x2048xi32, #tpu.memory_space<vmem>>, %arg8: memref<64x2048xf32, #tpu.memory_space<vmem>>, %arg9: memref<2048x128xf32, #tpu.memory_space<vmem>>, %arg10: memref<2048x128xf32, #tpu.memory_space<vmem>>, %arg11: memref<64x16xi32, #tpu.memory_space<vmem>>, %arg12: memref<1x1xf32, #tpu.memory_space<vmem>>, %arg13: memref<64x8xf32, #tpu.memory_space<vmem>>, %arg14: memref<64x8xf32, #tpu.memory_space<vmem>>, %arg15: memref<64x8xf32, #tpu.memory_space<vmem>>, %arg16: memref<64x1xf32, #tpu.memory_space<vmem>>) attributes {dimension_semantics = [#tpu.dimension_semantics<arbitrary>], iteration_bounds = array<i64: 33>, scalar_prefetch = 0 : i64, scratch_operands = 4 : i64, tpu.core_type = #tpu.core_type<tc>, window_params = [{pipeline_mode = #tpu.pipeline_mode<synchronous>, transform_indices = @transform_0, window_bounds = array<i64: 64, 128>}, {pipeline_mode = #tpu.pipeline_mode<synchronous>, transform_indices = @transform_1, window_bounds = array<i64: 64, 128>}, {pipeline_mode = #tpu.pipeline_mode<synchronous>, transform_indices = @transform_2, window_bounds = array<i64: 64, 128>}, {pipeline_mode = #tpu.pipeline_mode<synchronous>, transform_indices = @transform_3, window_bounds = array<i64: 64, 1>}, {transform_indices = @transform_4, window_bounds = array<i64: 2048, 128>}, {transform_indices = @transform_5, window_bounds = array<i64: 2048, 128>}, {transform_indices = @transform_6, window_bounds = array<i64: 1, 1, 2048>}, {transform_indices = @transform_7, window_bounds = array<i64: 64, 2048>}, {transform_indices = @transform_8, window_bounds = array<i64: 2048, 128>}, {transform_indices = @transform_9, window_bounds = array<i64: 2048, 128>}, {pipeline_mode = #tpu.pipeline_mode<synchronous>, transform_indices = @transform_10, window_bounds = array<i64: 64, 16>}, {pipeline_mode = #tpu.pipeline_mode<synchronous>, transform_indices = @transform_11, window_bounds = array<i64: 1, 1>}]} {
    %eq3A = arith.constant 0 : i32
    %eq3A_0 = arith.cmpi eq, %arg0, %eq3A : i32
    %convert_element_type3A = arith.extui %eq3A_0 : i1 to i32
    %cond3A = arith.constant 0 : i32
    %cond3A_1 = arith.cmpi ne, %convert_element_type3A, %cond3A : i32
    scf.if %cond3A_1 {
      %broadcast_in_dim3A = arith.constant 0xFF800000 : f32
      %broadcast_in_dim3A_11 = vector.broadcast %broadcast_in_dim3A : f32 to vector<64x8xf32>
      %swap3A = arith.constant 0 : index
      %swap3A_12 = arith.constant 0 : index
      %swap3A_13 = vector.load %arg13[%swap3A, %swap3A_12] : memref<64x8xf32, #tpu.memory_space<vmem>>, vector<64x8xf32>
      tpu.vector_store %arg13[%swap3A, %swap3A_12], %broadcast_in_dim3A_11 {strides = array<i32>} : memref<64x8xf32, #tpu.memory_space<vmem>>, vector<64x8xf32>,
      %broadcast_in_dim3A_14 = arith.constant 2.000000e+09 : f32
      %broadcast_in_dim3A_15 = vector.broadcast %broadcast_in_dim3A_14 : f32 to vector<64x8xf32>
      %swap3A_16 = arith.constant 0 : index
      %swap3A_17 = arith.constant 0 : index
      %swap3A_18 = vector.load %arg14[%swap3A_16, %swap3A_17] : memref<64x8xf32, #tpu.memory_space<vmem>>, vector<64x8xf32>
      tpu.vector_store %arg14[%swap3A_16, %swap3A_17], %broadcast_in_dim3A_15 {strides = array<i32>} : memref<64x8xf32, #tpu.memory_space<vmem>>, vector<64x8xf32>,
      %broadcast_in_dim3A_19 = arith.constant 2.000000e+09 : f32
      %broadcast_in_dim3A_20 = vector.broadcast %broadcast_in_dim3A_19 : f32 to vector<64x8xf32>
      %swap3A_21 = arith.constant 0 : index
      %swap3A_22 = arith.constant 0 : index
      %swap3A_23 = vector.load %arg15[%swap3A_21, %swap3A_22] : memref<64x8xf32, #tpu.memory_space<vmem>>, vector<64x8xf32>
      tpu.vector_store %arg15[%swap3A_21, %swap3A_22], %broadcast_in_dim3A_20 {strides = array<i32>} : memref<64x8xf32, #tpu.memory_space<vmem>>, vector<64x8xf32>,
      %get3A = arith.constant 0 : index
      %get3A_24 = arith.constant 0 : index
      %get3A_25 = vector.load %arg1[%get3A, %get3A_24] : memref<64x128xf32, #tpu.memory_space<vmem>>, vector<64x128xf32>
      %get3A_26 = arith.constant 0 : index
      %get3A_27 = arith.constant 0 : index
      %get3A_28 = vector.load %arg2[%get3A_26, %get3A_27] : memref<64x128xf32, #tpu.memory_space<vmem>>, vector<64x128xf32>
      %mul3A = arith.mulf %get3A_25, %get3A_28 : vector<64x128xf32>
      %reduce_sum3A = arith.constant dense<0.000000e+00> : vector<64xf32>
      %reduce_sum3A_29 = vector.multi_reduction <add>, %mul3A, %reduce_sum3A [1] : vector<64x128xf32> to vector<64xf32>
      %broadcast_in_dim3A_30 = vector.shape_cast %reduce_sum3A_29 : vector<64xf32> to vector<64x1xf32>
      %swap3A_31 = arith.constant 0 : index
      %swap3A_32 = arith.constant 0 : index
      %swap3A_33 = vector.load %arg16[%swap3A_31, %swap3A_32] : memref<64x1xf32, #tpu.memory_space<vmem>>, vector<64x1xf32>
      tpu.vector_store %arg16[%swap3A_31, %swap3A_32], %broadcast_in_dim3A_30 {strides = array<i32>} : memref<64x1xf32, #tpu.memory_space<vmem>>, vector<64x1xf32>,
    } else {
    }
    %lt3A = arith.constant 32 : i32
    %lt3A_2 = arith.cmpi slt, %arg0, %lt3A : i32
    %convert_element_type3A_3 = arith.extui %lt3A_2 : i1 to i32
    %cond3A_4 = arith.constant 0 : i32
    %cond3A_5 = arith.cmpi ne, %convert_element_type3A_3, %cond3A_4 : i32
    scf.if %cond3A_5 {
      %get3A = arith.constant 0 : index
      %get3A_11 = arith.constant 0 : index
      %get3A_12 = vector.load %arg5[%get3A, %get3A_11] : memref<2048x128xf32, #tpu.memory_space<vmem>>, vector<2048x128xf32>
      %get3A_13 = arith.constant 0 : index
      %get3A_14 = arith.constant 0 : index
      %get3A_15 = vector.load %arg6[%get3A_13, %get3A_14] : memref<2048x128xf32, #tpu.memory_space<vmem>>, vector<2048x128xf32>
      %get3A_16 = arith.constant 0 : index
      %get3A_17 = arith.constant 0 : index
      %get3A_18 = vector.load %arg1[%get3A_16, %get3A_17] : memref<64x128xf32, #tpu.memory_space<vmem>>, vector<64x128xf32>
      %get3A_19 = arith.constant 0 : index
      %get3A_20 = arith.constant 0 : index
      %get3A_21 = vector.load %arg3[%get3A_19, %get3A_20] : memref<64x128xf32, #tpu.memory_space<vmem>>, vector<64x128xf32>
      %dot_general3A = arith.constant dense<0.000000e+00> : vector<64x2048xf32>
      %dot_general3A_22 = tpu.matmul %get3A_18, %get3A_12, %dot_general3A {dimension_numbers = #tpu.dot_dimension_numbers<[1], [1], [0], [0], [0, 0, 1, 0], [], []>, transpose_lhs_hint = false} : vector<64x128xf32>, vector<2048x128xf32>, vector<64x2048xf32> -> vector<64x2048xf32>
      %dot_general3A_23 = arith.constant dense<0.000000e+00> : vector<64x2048xf32>
      %dot_general3A_24 = tpu.matmul %get3A_21, %get3A_15, %dot_general3A_23 {dimension_numbers = #tpu.dot_dimension_numbers<[1], [1], [0], [0], [0, 0, 1, 0], [], []>, transpose_lhs_hint = false} : vector<64x128xf32>, vector<2048x128xf32>, vector<64x2048xf32> -> vector<64x2048xf32>
      %get3A_25 = arith.constant 0 : index
      %get3A_26 = arith.constant 0 : index
      %get3A_27 = vector.load %arg16[%get3A_25, %get3A_26] : memref<64x1xf32, #tpu.memory_space<vmem>>, vector<64x1xf32>
      %slice3A = vector.extract_strided_slice %dot_general3A_22 {offsets = [0, 0], sizes = [64, 2047], strides = [1, 1]} : vector<64x2048xf32> to vector<64x2047xf32>
      %concatenate3A = tpu.concatenate %get3A_27, %slice3A in 1 : vector<64x1xf32>, vector<64x2047xf32> -> vector<64x2048xf32>
      %mul3A = arith.constant 14.2857141 : f32
      %mul3A_28 = vector.broadcast %mul3A : f32 to vector<64x2048xf32>
      %mul3A_29 = arith.mulf %concatenate3A, %mul3A_28 : vector<64x2048xf32>
      %swap3A = arith.constant 0 : index
      %swap3A_30 = arith.constant 0 : index
      %swap3A_31 = vector.load %arg8[%swap3A, %swap3A_30] : memref<64x2048xf32, #tpu.memory_space<vmem>>, vector<64x2048xf32>
      tpu.vector_store %arg8[%swap3A, %swap3A_30], %mul3A_29 {strides = array<i32>} : memref<64x2048xf32, #tpu.memory_space<vmem>>, vector<64x2048xf32>,
      %slice3A_32 = vector.extract_strided_slice %dot_general3A_22 {offsets = [0, 2047], sizes = [64, 1], strides = [1, 1]} : vector<64x2048xf32> to vector<64x1xf32>
      %swap3A_33 = arith.constant 0 : index
      %swap3A_34 = arith.constant 0 : index
      %swap3A_35 = vector.load %arg16[%swap3A_33, %swap3A_34] : memref<64x1xf32, #tpu.memory_space<vmem>>, vector<64x1xf32>
      tpu.vector_store %arg16[%swap3A_33, %swap3A_34], %slice3A_32 {strides = array<i32>} : memref<64x1xf32, #tpu.memory_space<vmem>>, vector<64x1xf32>,
      %eq3A_36 = arith.constant 0 : i32
      %eq3A_37 = arith.cmpi eq, %arg0, %eq3A_36 : i32
      %convert_element_type3A_38 = arith.extui %eq3A_37 : i1 to i32
      %cond3A_39 = arith.constant 0 : i32
      %cond3A_40 = arith.cmpi ne, %convert_element_type3A_38, %cond3A_39 : i32
      scf.if %cond3A_40 {
        %get3A_293 = arith.constant 0 : index
        %get3A_294 = arith.constant 0 : index
        %get3A_295 = vector.load %arg2[%get3A_293, %get3A_294] : memref<64x128xf32, #tpu.memory_space<vmem>>, vector<64x128xf32>
        %swap3A_296 = arith.constant 0 : index
        %swap3A_297 = arith.constant 0 : index
        %swap3A_298 = vector.load %arg9[%swap3A_296, %swap3A_297] : memref<2048x128xf32, #tpu.memory_space<vmem>>, vector<64x128xf32>
        tpu.vector_store %arg9[%swap3A_296, %swap3A_297], %get3A_295 {strides = array<i32>} : memref<2048x128xf32, #tpu.memory_space<vmem>>, vector<64x128xf32>,
        %slice3A_299 = vector.extract_strided_slice %get3A_12 {offsets = [64, 0], sizes = [1984, 128], strides = [1, 1]} : vector<2048x128xf32> to vector<1984x128xf32>
        %swap3A_300 = arith.constant 64 : index
        %swap3A_301 = arith.constant 0 : index
        %swap3A_302 = vector.load %arg9[%swap3A_300, %swap3A_301] : memref<2048x128xf32, #tpu.memory_space<vmem>>, vector<1984x128xf32>
        tpu.vector_store %arg9[%swap3A_300, %swap3A_301], %slice3A_299 {strides = array<i32>} : memref<2048x128xf32, #tpu.memory_space<vmem>>, vector<1984x128xf32>,
        %swap3A_303 = arith.constant 0 : index
        %swap3A_304 = arith.constant 0 : index
        %swap3A_305 = vector.load %arg10[%swap3A_303, %swap3A_304] : memref<2048x128xf32, #tpu.memory_space<vmem>>, vector<64x128xf32>
        tpu.vector_store %arg10[%swap3A_303, %swap3A_304], %get3A_21 {strides = array<i32>} : memref<2048x128xf32, #tpu.memory_space<vmem>>, vector<64x128xf32>,
        %slice3A_306 = vector.extract_strided_slice %get3A_15 {offsets = [64, 0], sizes = [1984, 128], strides = [1, 1]} : vector<2048x128xf32> to vector<1984x128xf32>
        %swap3A_307 = arith.constant 64 : index
        %swap3A_308 = arith.constant 0 : index
        %swap3A_309 = vector.load %arg10[%swap3A_307, %swap3A_308] : memref<2048x128xf32, #tpu.memory_space<vmem>>, vector<1984x128xf32>
        tpu.vector_store %arg10[%swap3A_307, %swap3A_308], %slice3A_306 {strides = array<i32>} : memref<2048x128xf32, #tpu.memory_space<vmem>>, vector<1984x128xf32>,
      } else {
      }
      %gt3A = arith.constant 0 : i32
      %gt3A_41 = arith.cmpi sgt, %arg0, %gt3A : i32
      %convert_element_type3A_42 = arith.extui %gt3A_41 : i1 to i32
      %cond3A_43 = arith.constant 0 : i32
      %cond3A_44 = arith.cmpi ne, %convert_element_type3A_42, %cond3A_43 : i32
      scf.if %cond3A_44 {
        %swap3A_293 = arith.constant 0 : index
        %swap3A_294 = arith.constant 0 : index
        %swap3A_295 = vector.load %arg9[%swap3A_293, %swap3A_294] : memref<2048x128xf32, #tpu.memory_space<vmem>>, vector<2048x128xf32>
        tpu.vector_store %arg9[%swap3A_293, %swap3A_294], %get3A_12 {strides = array<i32>} : memref<2048x128xf32, #tpu.memory_space<vmem>>, vector<2048x128xf32>,
        %swap3A_296 = arith.constant 0 : index
        %swap3A_297 = arith.constant 0 : index
        %swap3A_298 = vector.load %arg10[%swap3A_296, %swap3A_297] : memref<2048x128xf32, #tpu.memory_space<vmem>>, vector<2048x128xf32>
        tpu.vector_store %arg10[%swap3A_296, %swap3A_297], %get3A_15 {strides = array<i32>} : memref<2048x128xf32, #tpu.memory_space<vmem>>, vector<2048x128xf32>,
      } else {
      }
      %iota3A = tpu.iota {dimensions = array<i32: 1>} : vector<64x2048xi32>
      %mul3A_45 = arith.constant 2048 : i32
      %mul3A_46 = arith.muli %arg0, %mul3A_45 : i32
      %add3A = vector.broadcast %mul3A_46 : i32 to vector<64x2048xi32>
      %add3A_47 = arith.addi %iota3A, %add3A : vector<64x2048xi32>
      %convert_element_type3A_48 = arith.sitofp %add3A_47 : vector<64x2048xi32> to vector<64x2048xf32>
      %get3A_49 = arith.constant 0 : index
      %get3A_50 = arith.constant 0 : index
      %get3A_51 = arith.constant 0 : index
      %get3A_52 = vector.load %arg7[%get3A_49, %get3A_50, %get3A_51] : memref<1x1x2048xi32, #tpu.memory_space<vmem>>, vector<1x1x2048xi32>
      %reshape3A = vector.shape_cast %get3A_52 : vector<1x1x2048xi32> to vector<1x2048xi32>
      %convert_element_type3A_53 = arith.sitofp %reshape3A : vector<1x2048xi32> to vector<1x2048xf32>
      %broadcast_in_dim3A = vector.shape_cast %convert_element_type3A_53 : vector<1x2048xf32> to vector<1x2048xf32>
      %broadcast_in_dim3A_54 = vector.broadcast %broadcast_in_dim3A : vector<1x2048xf32> to vector<64x2048xf32>
      %reduce_max3A = arith.constant dense<0xFF800000> : vector<64xf32>
      %reduce_max3A_55 = vector.multi_reduction <maximumf>, %dot_general3A_24, %reduce_max3A [1] : vector<64x2048xf32> to vector<64xf32>
      %broadcast_in_dim3A_56 = vector.shape_cast %reduce_max3A_55 : vector<64xf32> to vector<64x1xf32>
      %eq3A_57 = vector.broadcast %broadcast_in_dim3A_56 : vector<64x1xf32> to vector<64x2048xf32>
      %eq3A_58 = arith.cmpf oeq, %dot_general3A_24, %eq3A_57 : vector<64x2048xf32>
      %jit3A = arith.constant 2.000000e+09 : f32
      %broadcast_in_dim3A_59 = vector.broadcast %jit3A : f32 to vector<64x2048xf32>
      %select_n3A = arith.select %eq3A_58, %convert_element_type3A_48, %broadcast_in_dim3A_59 : vector<64x2048xi1>, vector<64x2048xf32>
      %reduce_min3A = arith.constant dense<0x7F800000> : vector<64xf32>
      %reduce_min3A_60 = vector.multi_reduction <minimumf>, %select_n3A, %reduce_min3A [1] : vector<64x2048xf32> to vector<64xf32>
      %broadcast_in_dim3A_61 = vector.shape_cast %reduce_min3A_60 : vector<64xf32> to vector<64x1xf32>
      %eq3A_62 = vector.broadcast %broadcast_in_dim3A_61 : vector<64x1xf32> to vector<64x2048xf32>
      %eq3A_63 = arith.cmpf oeq, %convert_element_type3A_48, %eq3A_62 : vector<64x2048xf32>
      %jit3A_64 = arith.constant 2.000000e+09 : f32
      %broadcast_in_dim3A_65 = vector.broadcast %jit3A_64 : f32 to vector<64x2048xf32>
      %select_n3A_66 = arith.select %eq3A_63, %broadcast_in_dim3A_54, %broadcast_in_dim3A_65 : vector<64x2048xi1>, vector<64x2048xf32>
      %reduce_min3A_67 = arith.constant dense<0x7F800000> : vector<64xf32>
      %reduce_min3A_68 = vector.multi_reduction <minimumf>, %select_n3A_66, %reduce_min3A_67 [1] : vector<64x2048xf32> to vector<64xf32>
      %broadcast_in_dim3A_69 = vector.shape_cast %reduce_min3A_68 : vector<64xf32> to vector<64x1xf32>
      %jit3A_70 = arith.constant 0xFF800000 : f32
      %broadcast_in_dim3A_71 = vector.broadcast %jit3A_70 : f32 to vector<64x2048xf32>
      %select_n3A_72 = arith.select %eq3A_63, %broadcast_in_dim3A_71, %dot_general3A_24 : vector<64x2048xi1>, vector<64x2048xf32>
      %reduce_max3A_73 = arith.constant dense<0xFF800000> : vector<64xf32>
      %reduce_max3A_74 = vector.multi_reduction <maximumf>, %select_n3A_72, %reduce_max3A_73 [1] : vector<64x2048xf32> to vector<64xf32>
      %broadcast_in_dim3A_75 = vector.shape_cast %reduce_max3A_74 : vector<64xf32> to vector<64x1xf32>
      %eq3A_76 = vector.broadcast %broadcast_in_dim3A_75 : vector<64x1xf32> to vector<64x2048xf32>
      %eq3A_77 = arith.cmpf oeq, %select_n3A_72, %eq3A_76 : vector<64x2048xf32>
      %jit3A_78 = arith.constant 2.000000e+09 : f32
      %broadcast_in_dim3A_79 = vector.broadcast %jit3A_78 : f32 to vector<64x2048xf32>
      %select_n3A_80 = arith.select %eq3A_77, %convert_element_type3A_48, %broadcast_in_dim3A_79 : vector<64x2048xi1>, vector<64x2048xf32>
      %reduce_min3A_81 = arith.constant dense<0x7F800000> : vector<64xf32>
      %reduce_min3A_82 = vector.multi_reduction <minimumf>, %select_n3A_80, %reduce_min3A_81 [1] : vector<64x2048xf32> to vector<64xf32>
      %broadcast_in_dim3A_83 = vector.shape_cast %reduce_min3A_82 : vector<64xf32> to vector<64x1xf32>
      %eq3A_84 = vector.broadcast %broadcast_in_dim3A_83 : vector<64x1xf32> to vector<64x2048xf32>
      %eq3A_85 = arith.cmpf oeq, %convert_element_type3A_48, %eq3A_84 : vector<64x2048xf32>
      %jit3A_86 = arith.constant 2.000000e+09 : f32
      %broadcast_in_dim3A_87 = vector.broadcast %jit3A_86 : f32 to vector<64x2048xf32>
      %select_n3A_88 = arith.select %eq3A_85, %broadcast_in_dim3A_54, %broadcast_in_dim3A_87 : vector<64x2048xi1>, vector<64x2048xf32>
      %reduce_min3A_89 = arith.constant dense<0x7F800000> : vector<64xf32>
      %reduce_min3A_90 = vector.multi_reduction <minimumf>, %select_n3A_88, %reduce_min3A_89 [1] : vector<64x2048xf32> to vector<64xf32>
      %broadcast_in_dim3A_91 = vector.shape_cast %reduce_min3A_90 : vector<64xf32> to vector<64x1xf32>
      %jit3A_92 = arith.constant 0xFF800000 : f32
      %broadcast_in_dim3A_93 = vector.broadcast %jit3A_92 : f32 to vector<64x2048xf32>
      %select_n3A_94 = arith.select %eq3A_85, %broadcast_in_dim3A_93, %select_n3A_72 : vector<64x2048xi1>, vector<64x2048xf32>
      %reduce_max3A_95 = arith.constant dense<0xFF800000> : vector<64xf32>
      %reduce_max3A_96 = vector.multi_reduction <maximumf>, %select_n3A_94, %reduce_max3A_95 [1] : vector<64x2048xf32> to vector<64xf32>
      %broadcast_in_dim3A_97 = vector.shape_cast %reduce_max3A_96 : vector<64xf32> to vector<64x1xf32>
      %eq3A_98 = vector.broadcast %broadcast_in_dim3A_97 : vector<64x1xf32> to vector<64x2048xf32>
      %eq3A_99 = arith.cmpf oeq, %select_n3A_94, %eq3A_98 : vector<64x2048xf32>
      %jit3A_100 = arith.constant 2.000000e+09 : f32
      %broadcast_in_dim3A_101 = vector.broadcast %jit3A_100 : f32 to vector<64x2048xf32>
      %select_n3A_102 = arith.select %eq3A_99, %convert_element_type3A_48, %broadcast_in_dim3A_101 : vector<64x2048xi1>, vector<64x2048xf32>
      %reduce_min3A_103 = arith.constant dense<0x7F800000> : vector<64xf32>
      %reduce_min3A_104 = vector.multi_reduction <minimumf>, %select_n3A_102, %reduce_min3A_103 [1] : vector<64x2048xf32> to vector<64xf32>
      %broadcast_in_dim3A_105 = vector.shape_cast %reduce_min3A_104 : vector<64xf32> to vector<64x1xf32>
      %eq3A_106 = vector.broadcast %broadcast_in_dim3A_105 : vector<64x1xf32> to vector<64x2048xf32>
      %eq3A_107 = arith.cmpf oeq, %convert_element_type3A_48, %eq3A_106 : vector<64x2048xf32>
      %jit3A_108 = arith.constant 2.000000e+09 : f32
      %broadcast_in_dim3A_109 = vector.broadcast %jit3A_108 : f32 to vector<64x2048xf32>
      %select_n3A_110 = arith.select %eq3A_107, %broadcast_in_dim3A_54, %broadcast_in_dim3A_109 : vector<64x2048xi1>, vector<64x2048xf32>
      %reduce_min3A_111 = arith.constant dense<0x7F800000> : vector<64xf32>
      %reduce_min3A_112 = vector.multi_reduction <minimumf>, %select_n3A_110, %reduce_min3A_111 [1] : vector<64x2048xf32> to vector<64xf32>
      %broadcast_in_dim3A_113 = vector.shape_cast %reduce_min3A_112 : vector<64xf32> to vector<64x1xf32>
      %jit3A_114 = arith.constant 0xFF800000 : f32
      %broadcast_in_dim3A_115 = vector.broadcast %jit3A_114 : f32 to vector<64x2048xf32>
      %select_n3A_116 = arith.select %eq3A_107, %broadcast_in_dim3A_115, %select_n3A_94 : vector<64x2048xi1>, vector<64x2048xf32>
      %reduce_max3A_117 = arith.constant dense<0xFF800000> : vector<64xf32>
      %reduce_max3A_118 = vector.multi_reduction <maximumf>, %select_n3A_116, %reduce_max3A_117 [1] : vector<64x2048xf32> to vector<64xf32>
      %broadcast_in_dim3A_119 = vector.shape_cast %reduce_max3A_118 : vector<64xf32> to vector<64x1xf32>
      %eq3A_120 = vector.broadcast %broadcast_in_dim3A_119 : vector<64x1xf32> to vector<64x2048xf32>
      %eq3A_121 = arith.cmpf oeq, %select_n3A_116, %eq3A_120 : vector<64x2048xf32>
      %jit3A_122 = arith.constant 2.000000e+09 : f32
      %broadcast_in_dim3A_123 = vector.broadcast %jit3A_122 : f32 to vector<64x2048xf32>
      %select_n3A_124 = arith.select %eq3A_121, %convert_element_type3A_48, %broadcast_in_dim3A_123 : vector<64x2048xi1>, vector<64x2048xf32>
      %reduce_min3A_125 = arith.constant dense<0x7F800000> : vector<64xf32>
      %reduce_min3A_126 = vector.multi_reduction <minimumf>, %select_n3A_124, %reduce_min3A_125 [1] : vector<64x2048xf32> to vector<64xf32>
      %broadcast_in_dim3A_127 = vector.shape_cast %reduce_min3A_126 : vector<64xf32> to vector<64x1xf32>
      %eq3A_128 = vector.broadcast %broadcast_in_dim3A_127 : vector<64x1xf32> to vector<64x2048xf32>
      %eq3A_129 = arith.cmpf oeq, %convert_element_type3A_48, %eq3A_128 : vector<64x2048xf32>
      %jit3A_130 = arith.constant 2.000000e+09 : f32
      %broadcast_in_dim3A_131 = vector.broadcast %jit3A_130 : f32 to vector<64x2048xf32>
      %select_n3A_132 = arith.select %eq3A_129, %broadcast_in_dim3A_54, %broadcast_in_dim3A_131 : vector<64x2048xi1>, vector<64x2048xf32>
      %reduce_min3A_133 = arith.constant dense<0x7F800000> : vector<64xf32>
      %reduce_min3A_134 = vector.multi_reduction <minimumf>, %select_n3A_132, %reduce_min3A_133 [1] : vector<64x2048xf32> to vector<64xf32>
      %broadcast_in_dim3A_135 = vector.shape_cast %reduce_min3A_134 : vector<64xf32> to vector<64x1xf32>
      %jit3A_136 = arith.constant 0xFF800000 : f32
      %broadcast_in_dim3A_137 = vector.broadcast %jit3A_136 : f32 to vector<64x2048xf32>
      %select_n3A_138 = arith.select %eq3A_129, %broadcast_in_dim3A_137, %select_n3A_116 : vector<64x2048xi1>, vector<64x2048xf32>
      %reduce_max3A_139 = arith.constant dense<0xFF800000> : vector<64xf32>
      %reduce_max3A_140 = vector.multi_reduction <maximumf>, %select_n3A_138, %reduce_max3A_139 [1] : vector<64x2048xf32> to vector<64xf32>
      %broadcast_in_dim3A_141 = vector.shape_cast %reduce_max3A_140 : vector<64xf32> to vector<64x1xf32>
      %eq3A_142 = vector.broadcast %broadcast_in_dim3A_141 : vector<64x1xf32> to vector<64x2048xf32>
      %eq3A_143 = arith.cmpf oeq, %select_n3A_138, %eq3A_142 : vector<64x2048xf32>
      %jit3A_144 = arith.constant 2.000000e+09 : f32
      %broadcast_in_dim3A_145 = vector.broadcast %jit3A_144 : f32 to vector<64x2048xf32>
      %select_n3A_146 = arith.select %eq3A_143, %convert_element_type3A_48, %broadcast_in_dim3A_145 : vector<64x2048xi1>, vector<64x2048xf32>
      %reduce_min3A_147 = arith.constant dense<0x7F800000> : vector<64xf32>
      %reduce_min3A_148 = vector.multi_reduction <minimumf>, %select_n3A_146, %reduce_min3A_147 [1] : vector<64x2048xf32> to vector<64xf32>
      %broadcast_in_dim3A_149 = vector.shape_cast %reduce_min3A_148 : vector<64xf32> to vector<64x1xf32>
      %eq3A_150 = vector.broadcast %broadcast_in_dim3A_149 : vector<64x1xf32> to vector<64x2048xf32>
      %eq3A_151 = arith.cmpf oeq, %convert_element_type3A_48, %eq3A_150 : vector<64x2048xf32>
      %jit3A_152 = arith.constant 2.000000e+09 : f32
      %broadcast_in_dim3A_153 = vector.broadcast %jit3A_152 : f32 to vector<64x2048xf32>
      %select_n3A_154 = arith.select %eq3A_151, %broadcast_in_dim3A_54, %broadcast_in_dim3A_153 : vector<64x2048xi1>, vector<64x2048xf32>
      %reduce_min3A_155 = arith.constant dense<0x7F800000> : vector<64xf32>
      %reduce_min3A_156 = vector.multi_reduction <minimumf>, %select_n3A_154, %reduce_min3A_155 [1] : vector<64x2048xf32> to vector<64xf32>
      %broadcast_in_dim3A_157 = vector.shape_cast %reduce_min3A_156 : vector<64xf32> to vector<64x1xf32>
      %broadcast_in_dim3A_158 = arith.constant 0xFF800000 : f32
      %broadcast_in_dim3A_159 = vector.broadcast %broadcast_in_dim3A_158 : f32 to vector<64x3xf32>
      %broadcast_in_dim3A_160 = arith.constant 2.000000e+09 : f32
      %broadcast_in_dim3A_161 = vector.broadcast %broadcast_in_dim3A_160 : f32 to vector<64x3xf32>
      %get3A_162 = arith.constant 0 : index
      %get3A_163 = arith.constant 0 : index
      %get3A_164 = vector.load %arg13[%get3A_162, %get3A_163] : memref<64x8xf32, #tpu.memory_space<vmem>>, vector<64x8xf32>
      %concatenate3A_165 = tpu.concatenate %get3A_164, %broadcast_in_dim3A_56, %broadcast_in_dim3A_75, %broadcast_in_dim3A_97, %broadcast_in_dim3A_119, %broadcast_in_dim3A_141, %broadcast_in_dim3A_159 in 1 : vector<64x8xf32>, vector<64x1xf32>, vector<64x1xf32>, vector<64x1xf32>, vector<64x1xf32>, vector<64x1xf32>, vector<64x3xf32> -> vector<64x16xf32>
      %get3A_166 = arith.constant 0 : index
      %get3A_167 = arith.constant 0 : index
      %get3A_168 = vector.load %arg14[%get3A_166, %get3A_167] : memref<64x8xf32, #tpu.memory_space<vmem>>, vector<64x8xf32>
      %concatenate3A_169 = tpu.concatenate %get3A_168, %broadcast_in_dim3A_61, %broadcast_in_dim3A_83, %broadcast_in_dim3A_105, %broadcast_in_dim3A_127, %broadcast_in_dim3A_149, %broadcast_in_dim3A_161 in 1 : vector<64x8xf32>, vector<64x1xf32>, vector<64x1xf32>, vector<64x1xf32>, vector<64x1xf32>, vector<64x1xf32>, vector<64x3xf32> -> vector<64x16xf32>
      %get3A_170 = arith.constant 0 : index
      %get3A_171 = arith.constant 0 : index
      %get3A_172 = vector.load %arg15[%get3A_170, %get3A_171] : memref<64x8xf32, #tpu.memory_space<vmem>>, vector<64x8xf32>
      %concatenate3A_173 = tpu.concatenate %get3A_172, %broadcast_in_dim3A_69, %broadcast_in_dim3A_91, %broadcast_in_dim3A_113, %broadcast_in_dim3A_135, %broadcast_in_dim3A_157, %broadcast_in_dim3A_161 in 1 : vector<64x8xf32>, vector<64x1xf32>, vector<64x1xf32>, vector<64x1xf32>, vector<64x1xf32>, vector<64x1xf32>, vector<64x3xf32> -> vector<64x16xf32>
      %reduce_max3A_174 = arith.constant dense<0xFF800000> : vector<64xf32>
      %reduce_max3A_175 = vector.multi_reduction <maximumf>, %concatenate3A_165, %reduce_max3A_174 [1] : vector<64x16xf32> to vector<64xf32>
      %broadcast_in_dim3A_176 = vector.shape_cast %reduce_max3A_175 : vector<64xf32> to vector<64x1xf32>
      %eq3A_177 = vector.broadcast %broadcast_in_dim3A_176 : vector<64x1xf32> to vector<64x16xf32>
      %eq3A_178 = arith.cmpf oeq, %concatenate3A_165, %eq3A_177 : vector<64x16xf32>
      %jit3A_179 = arith.constant 2.000000e+09 : f32
      %broadcast_in_dim3A_180 = vector.broadcast %jit3A_179 : f32 to vector<64x16xf32>
      %select_n3A_181 = arith.select %eq3A_178, %concatenate3A_169, %broadcast_in_dim3A_180 : vector<64x16xi1>, vector<64x16xf32>
      %reduce_min3A_182 = arith.constant dense<0x7F800000> : vector<64xf32>
      %reduce_min3A_183 = vector.multi_reduction <minimumf>, %select_n3A_181, %reduce_min3A_182 [1] : vector<64x16xf32> to vector<64xf32>
      %broadcast_in_dim3A_184 = vector.shape_cast %reduce_min3A_183 : vector<64xf32> to vector<64x1xf32>
      %eq3A_185 = vector.broadcast %broadcast_in_dim3A_184 : vector<64x1xf32> to vector<64x16xf32>
      %eq3A_186 = arith.cmpf oeq, %concatenate3A_169, %eq3A_185 : vector<64x16xf32>
      %jit3A_187 = arith.constant 2.000000e+09 : f32
      %broadcast_in_dim3A_188 = vector.broadcast %jit3A_187 : f32 to vector<64x16xf32>
      %select_n3A_189 = arith.select %eq3A_186, %concatenate3A_173, %broadcast_in_dim3A_188 : vector<64x16xi1>, vector<64x16xf32>
      %reduce_min3A_190 = arith.constant dense<0x7F800000> : vector<64xf32>
      %reduce_min3A_191 = vector.multi_reduction <minimumf>, %select_n3A_189, %reduce_min3A_190 [1] : vector<64x16xf32> to vector<64xf32>
      %broadcast_in_dim3A_192 = vector.shape_cast %reduce_min3A_191 : vector<64xf32> to vector<64x1xf32>
      %jit3A_193 = arith.constant 0xFF800000 : f32
      %broadcast_in_dim3A_194 = vector.broadcast %jit3A_193 : f32 to vector<64x16xf32>
      %select_n3A_195 = arith.select %eq3A_186, %broadcast_in_dim3A_194, %concatenate3A_165 : vector<64x16xi1>, vector<64x16xf32>
      %reduce_max3A_196 = arith.constant dense<0xFF800000> : vector<64xf32>
      %reduce_max3A_197 = vector.multi_reduction <maximumf>, %select_n3A_195, %reduce_max3A_196 [1] : vector<64x16xf32> to vector<64xf32>
      %broadcast_in_dim3A_198 = vector.shape_cast %reduce_max3A_197 : vector<64xf32> to vector<64x1xf32>
      %eq3A_199 = vector.broadcast %broadcast_in_dim3A_198 : vector<64x1xf32> to vector<64x16xf32>
      %eq3A_200 = arith.cmpf oeq, %select_n3A_195, %eq3A_199 : vector<64x16xf32>
      %jit3A_201 = arith.constant 2.000000e+09 : f32
      %broadcast_in_dim3A_202 = vector.broadcast %jit3A_201 : f32 to vector<64x16xf32>
      %select_n3A_203 = arith.select %eq3A_200, %concatenate3A_169, %broadcast_in_dim3A_202 : vector<64x16xi1>, vector<64x16xf32>
      %reduce_min3A_204 = arith.constant dense<0x7F800000> : vector<64xf32>
      %reduce_min3A_205 = vector.multi_reduction <minimumf>, %select_n3A_203, %reduce_min3A_204 [1] : vector<64x16xf32> to vector<64xf32>
      %broadcast_in_dim3A_206 = vector.shape_cast %reduce_min3A_205 : vector<64xf32> to vector<64x1xf32>
      %eq3A_207 = vector.broadcast %broadcast_in_dim3A_206 : vector<64x1xf32> to vector<64x16xf32>
      %eq3A_208 = arith.cmpf oeq, %concatenate3A_169, %eq3A_207 : vector<64x16xf32>
      %jit3A_209 = arith.constant 2.000000e+09 : f32
      %broadcast_in_dim3A_210 = vector.broadcast %jit3A_209 : f32 to vector<64x16xf32>
      %select_n3A_211 = arith.select %eq3A_208, %concatenate3A_173, %broadcast_in_dim3A_210 : vector<64x16xi1>, vector<64x16xf32>
      %reduce_min3A_212 = arith.constant dense<0x7F800000> : vector<64xf32>
      %reduce_min3A_213 = vector.multi_reduction <minimumf>, %select_n3A_211, %reduce_min3A_212 [1] : vector<64x16xf32> to vector<64xf32>
      %broadcast_in_dim3A_214 = vector.shape_cast %reduce_min3A_213 : vector<64xf32> to vector<64x1xf32>
      %jit3A_215 = arith.constant 0xFF800000 : f32
      %broadcast_in_dim3A_216 = vector.broadcast %jit3A_215 : f32 to vector<64x16xf32>
      %select_n3A_217 = arith.select %eq3A_208, %broadcast_in_dim3A_216, %select_n3A_195 : vector<64x16xi1>, vector<64x16xf32>
      %reduce_max3A_218 = arith.constant dense<0xFF800000> : vector<64xf32>
      %reduce_max3A_219 = vector.multi_reduction <maximumf>, %select_n3A_217, %reduce_max3A_218 [1] : vector<64x16xf32> to vector<64xf32>
      %broadcast_in_dim3A_220 = vector.shape_cast %reduce_max3A_219 : vector<64xf32> to vector<64x1xf32>
      %eq3A_221 = vector.broadcast %broadcast_in_dim3A_220 : vector<64x1xf32> to vector<64x16xf32>
      %eq3A_222 = arith.cmpf oeq, %select_n3A_217, %eq3A_221 : vector<64x16xf32>
      %jit3A_223 = arith.constant 2.000000e+09 : f32
      %broadcast_in_dim3A_224 = vector.broadcast %jit3A_223 : f32 to vector<64x16xf32>
      %select_n3A_225 = arith.select %eq3A_222, %concatenate3A_169, %broadcast_in_dim3A_224 : vector<64x16xi1>, vector<64x16xf32>
      %reduce_min3A_226 = arith.constant dense<0x7F800000> : vector<64xf32>
      %reduce_min3A_227 = vector.multi_reduction <minimumf>, %select_n3A_225, %reduce_min3A_226 [1] : vector<64x16xf32> to vector<64xf32>
      %broadcast_in_dim3A_228 = vector.shape_cast %reduce_min3A_227 : vector<64xf32> to vector<64x1xf32>
      %eq3A_229 = vector.broadcast %broadcast_in_dim3A_228 : vector<64x1xf32> to vector<64x16xf32>
      %eq3A_230 = arith.cmpf oeq, %concatenate3A_169, %eq3A_229 : vector<64x16xf32>
      %jit3A_231 = arith.constant 2.000000e+09 : f32
      %broadcast_in_dim3A_232 = vector.broadcast %jit3A_231 : f32 to vector<64x16xf32>
      %select_n3A_233 = arith.select %eq3A_230, %concatenate3A_173, %broadcast_in_dim3A_232 : vector<64x16xi1>, vector<64x16xf32>
      %reduce_min3A_234 = arith.constant dense<0x7F800000> : vector<64xf32>
      %reduce_min3A_235 = vector.multi_reduction <minimumf>, %select_n3A_233, %reduce_min3A_234 [1] : vector<64x16xf32> to vector<64xf32>
      %broadcast_in_dim3A_236 = vector.shape_cast %reduce_min3A_235 : vector<64xf32> to vector<64x1xf32>
      %jit3A_237 = arith.constant 0xFF800000 : f32
      %broadcast_in_dim3A_238 = vector.broadcast %jit3A_237 : f32 to vector<64x16xf32>
      %select_n3A_239 = arith.select %eq3A_230, %broadcast_in_dim3A_238, %select_n3A_217 : vector<64x16xi1>, vector<64x16xf32>
      %reduce_max3A_240 = arith.constant dense<0xFF800000> : vector<64xf32>
      %reduce_max3A_241 = vector.multi_reduction <maximumf>, %select_n3A_239, %reduce_max3A_240 [1] : vector<64x16xf32> to vector<64xf32>
      %broadcast_in_dim3A_242 = vector.shape_cast %reduce_max3A_241 : vector<64xf32> to vector<64x1xf32>
      %eq3A_243 = vector.broadcast %broadcast_in_dim3A_242 : vector<64x1xf32> to vector<64x16xf32>
      %eq3A_244 = arith.cmpf oeq, %select_n3A_239, %eq3A_243 : vector<64x16xf32>
      %jit3A_245 = arith.constant 2.000000e+09 : f32
      %broadcast_in_dim3A_246 = vector.broadcast %jit3A_245 : f32 to vector<64x16xf32>
      %select_n3A_247 = arith.select %eq3A_244, %concatenate3A_169, %broadcast_in_dim3A_246 : vector<64x16xi1>, vector<64x16xf32>
      %reduce_min3A_248 = arith.constant dense<0x7F800000> : vector<64xf32>
      %reduce_min3A_249 = vector.multi_reduction <minimumf>, %select_n3A_247, %reduce_min3A_248 [1] : vector<64x16xf32> to vector<64xf32>
      %broadcast_in_dim3A_250 = vector.shape_cast %reduce_min3A_249 : vector<64xf32> to vector<64x1xf32>
      %eq3A_251 = vector.broadcast %broadcast_in_dim3A_250 : vector<64x1xf32> to vector<64x16xf32>
      %eq3A_252 = arith.cmpf oeq, %concatenate3A_169, %eq3A_251 : vector<64x16xf32>
      %jit3A_253 = arith.constant 2.000000e+09 : f32
      %broadcast_in_dim3A_254 = vector.broadcast %jit3A_253 : f32 to vector<64x16xf32>
      %select_n3A_255 = arith.select %eq3A_252, %concatenate3A_173, %broadcast_in_dim3A_254 : vector<64x16xi1>, vector<64x16xf32>
      %reduce_min3A_256 = arith.constant dense<0x7F800000> : vector<64xf32>
      %reduce_min3A_257 = vector.multi_reduction <minimumf>, %select_n3A_255, %reduce_min3A_256 [1] : vector<64x16xf32> to vector<64xf32>
      %broadcast_in_dim3A_258 = vector.shape_cast %reduce_min3A_257 : vector<64xf32> to vector<64x1xf32>
      %jit3A_259 = arith.constant 0xFF800000 : f32
      %broadcast_in_dim3A_260 = vector.broadcast %jit3A_259 : f32 to vector<64x16xf32>
      %select_n3A_261 = arith.select %eq3A_252, %broadcast_in_dim3A_260, %select_n3A_239 : vector<64x16xi1>, vector<64x16xf32>
      %reduce_max3A_262 = arith.constant dense<0xFF800000> : vector<64xf32>
      %reduce_max3A_263 = vector.multi_reduction <maximumf>, %select_n3A_261, %reduce_max3A_262 [1] : vector<64x16xf32> to vector<64xf32>
      %broadcast_in_dim3A_264 = vector.shape_cast %reduce_max3A_263 : vector<64xf32> to vector<64x1xf32>
      %eq3A_265 = vector.broadcast %broadcast_in_dim3A_264 : vector<64x1xf32> to vector<64x16xf32>
      %eq3A_266 = arith.cmpf oeq, %select_n3A_261, %eq3A_265 : vector<64x16xf32>
      %jit3A_267 = arith.constant 2.000000e+09 : f32
      %broadcast_in_dim3A_268 = vector.broadcast %jit3A_267 : f32 to vector<64x16xf32>
      %select_n3A_269 = arith.select %eq3A_266, %concatenate3A_169, %broadcast_in_dim3A_268 : vector<64x16xi1>, vector<64x16xf32>
      %reduce_min3A_270 = arith.constant dense<0x7F800000> : vector<64xf32>
      %reduce_min3A_271 = vector.multi_reduction <minimumf>, %select_n3A_269, %reduce_min3A_270 [1] : vector<64x16xf32> to vector<64xf32>
      %broadcast_in_dim3A_272 = vector.shape_cast %reduce_min3A_271 : vector<64xf32> to vector<64x1xf32>
      %eq3A_273 = vector.broadcast %broadcast_in_dim3A_272 : vector<64x1xf32> to vector<64x16xf32>
      %eq3A_274 = arith.cmpf oeq, %concatenate3A_169, %eq3A_273 : vector<64x16xf32>
      %jit3A_275 = arith.constant 2.000000e+09 : f32
      %broadcast_in_dim3A_276 = vector.broadcast %jit3A_275 : f32 to vector<64x16xf32>
      %select_n3A_277 = arith.select %eq3A_274, %concatenate3A_173, %broadcast_in_dim3A_276 : vector<64x16xi1>, vector<64x16xf32>
      %reduce_min3A_278 = arith.constant dense<0x7F800000> : vector<64xf32>
      %reduce_min3A_279 = vector.multi_reduction <minimumf>, %select_n3A_277, %reduce_min3A_278 [1] : vector<64x16xf32> to vector<64xf32>
      %broadcast_in_dim3A_280 = vector.shape_cast %reduce_min3A_279 : vector<64xf32> to vector<64x1xf32>
      %concatenate3A_281 = tpu.concatenate %broadcast_in_dim3A_176, %broadcast_in_dim3A_198, %broadcast_in_dim3A_220, %broadcast_in_dim3A_242, %broadcast_in_dim3A_264, %broadcast_in_dim3A_159 in 1 : vector<64x1xf32>, vector<64x1xf32>, vector<64x1xf32>, vector<64x1xf32>, vector<64x1xf32>, vector<64x3xf32> -> vector<64x8xf32>
      %swap3A_282 = arith.constant 0 : index
      %swap3A_283 = arith.constant 0 : index
      %swap3A_284 = vector.load %arg13[%swap3A_282, %swap3A_283] : memref<64x8xf32, #tpu.memory_space<vmem>>, vector<64x8xf32>
      tpu.vector_store %arg13[%swap3A_282, %swap3A_283], %concatenate3A_281 {strides = array<i32>} : memref<64x8xf32, #tpu.memory_space<vmem>>, vector<64x8xf32>,
      %concatenate3A_285 = tpu.concatenate %broadcast_in_dim3A_184, %broadcast_in_dim3A_206, %broadcast_in_dim3A_228, %broadcast_in_dim3A_250, %broadcast_in_dim3A_272, %broadcast_in_dim3A_161 in 1 : vector<64x1xf32>, vector<64x1xf32>, vector<64x1xf32>, vector<64x1xf32>, vector<64x1xf32>, vector<64x3xf32> -> vector<64x8xf32>
      %swap3A_286 = arith.constant 0 : index
      %swap3A_287 = arith.constant 0 : index
      %swap3A_288 = vector.load %arg14[%swap3A_286, %swap3A_287] : memref<64x8xf32, #tpu.memory_space<vmem>>, vector<64x8xf32>
      tpu.vector_store %arg14[%swap3A_286, %swap3A_287], %concatenate3A_285 {strides = array<i32>} : memref<64x8xf32, #tpu.memory_space<vmem>>, vector<64x8xf32>,
      %concatenate3A_289 = tpu.concatenate %broadcast_in_dim3A_192, %broadcast_in_dim3A_214, %broadcast_in_dim3A_236, %broadcast_in_dim3A_258, %broadcast_in_dim3A_280, %broadcast_in_dim3A_161 in 1 : vector<64x1xf32>, vector<64x1xf32>, vector<64x1xf32>, vector<64x1xf32>, vector<64x1xf32>, vector<64x3xf32> -> vector<64x8xf32>
      %swap3A_290 = arith.constant 0 : index
      %swap3A_291 = arith.constant 0 : index
      %swap3A_292 = vector.load %arg15[%swap3A_290, %swap3A_291] : memref<64x8xf32, #tpu.memory_space<vmem>>, vector<64x8xf32>
      tpu.vector_store %arg15[%swap3A_290, %swap3A_291], %concatenate3A_289 {strides = array<i32>} : memref<64x8xf32, #tpu.memory_space<vmem>>, vector<64x8xf32>,
    } else {
    }
    %eq3A_6 = arith.constant 32 : i32
    %eq3A_7 = arith.cmpi eq, %arg0, %eq3A_6 : i32
    %convert_element_type3A_8 = arith.extui %eq3A_7 : i1 to i32
    %cond3A_9 = arith.constant 0 : i32
    %cond3A_10 = arith.cmpi ne, %convert_element_type3A_8, %cond3A_9 : i32
    scf.if %cond3A_10 {
      %broadcast_in_dim3A = arith.constant 0.000000e+00 : f32
      %broadcast_in_dim3A_11 = vector.broadcast %broadcast_in_dim3A : f32 to vector<64x2047xf32>
      %get3A = arith.constant 0 : index
      %get3A_12 = arith.constant 0 : index
      %get3A_13 = vector.load %arg16[%get3A, %get3A_12] : memref<64x1xf32, #tpu.memory_space<vmem>>, vector<64x1xf32>
      %concatenate3A = tpu.concatenate %get3A_13, %broadcast_in_dim3A_11 in 1 : vector<64x1xf32>, vector<64x2047xf32> -> vector<64x2048xf32>
      %mul3A = arith.constant 14.2857141 : f32
      %mul3A_14 = vector.broadcast %mul3A : f32 to vector<64x2048xf32>
      %mul3A_15 = arith.mulf %concatenate3A, %mul3A_14 : vector<64x2048xf32>
      %swap3A = arith.constant 0 : index
      %swap3A_16 = arith.constant 0 : index
      %swap3A_17 = vector.load %arg8[%swap3A, %swap3A_16] : memref<64x2048xf32, #tpu.memory_space<vmem>>, vector<64x2048xf32>
      tpu.vector_store %arg8[%swap3A, %swap3A_16], %mul3A_15 {strides = array<i32>} : memref<64x2048xf32, #tpu.memory_space<vmem>>, vector<64x2048xf32>,
      %iota3A = tpu.iota {dimensions = array<i32: 1>} : vector<64x16xi32>
      %get3A_18 = arith.constant 0 : index
      %get3A_19 = arith.constant 0 : index
      %get3A_20 = vector.load %arg14[%get3A_18, %get3A_19] : memref<64x8xf32, #tpu.memory_space<vmem>>, vector<64x8xf32>
      %broadcast_in_dim3A_21 = arith.constant 0.000000e+00 : f32
      %broadcast_in_dim3A_22 = vector.broadcast %broadcast_in_dim3A_21 : f32 to vector<64x8xf32>
      %concatenate3A_23 = tpu.concatenate %get3A_20, %broadcast_in_dim3A_22 in 1 : vector<64x8xf32>, vector<64x8xf32> -> vector<64x16xf32>
      %lt3A_24 = arith.constant 5 : i32
      %lt3A_25 = vector.broadcast %lt3A_24 : i32 to vector<64x16xi32>
      %lt3A_26 = arith.cmpi slt, %iota3A, %lt3A_25 : vector<64x16xi32>
      %convert_element_type3A_27 = arith.fptosi %concatenate3A_23 : vector<64x16xf32> to vector<64x16xi32>
      %jit3A = arith.constant 0 : i32
      %broadcast_in_dim3A_28 = vector.broadcast %jit3A : i32 to vector<64x16xi32>
      %select_n3A = arith.select %lt3A_26, %convert_element_type3A_27, %broadcast_in_dim3A_28 : vector<64x16xi1>, vector<64x16xi32>
      %swap3A_29 = arith.constant 0 : index
      %swap3A_30 = arith.constant 0 : index
      %swap3A_31 = vector.load %arg11[%swap3A_29, %swap3A_30] : memref<64x16xi32, #tpu.memory_space<vmem>>, vector<64x16xi32>
      tpu.vector_store %arg11[%swap3A_29, %swap3A_30], %select_n3A {strides = array<i32>} : memref<64x16xi32, #tpu.memory_space<vmem>>, vector<64x16xi32>,
      %get3A_32 = arith.constant 0 : index
      %get3A_33 = arith.constant 0 : index
      %get3A_34 = vector.load %arg4[%get3A_32, %get3A_33] : memref<64x1xi32, #tpu.memory_space<vmem>>, vector<64x1xi32>
      %convert_element_type3A_35 = arith.sitofp %get3A_34 : vector<64x1xi32> to vector<64x1xf32>
      %get3A_36 = arith.constant 0 : index
      %get3A_37 = arith.constant 0 : index
      %get3A_38 = vector.load %arg15[%get3A_36, %get3A_37] : memref<64x8xf32, #tpu.memory_space<vmem>>, vector<64x8xf32>
      %slice3A = vector.extract_strided_slice %get3A_38 {offsets = [0, 0], sizes = [64, 5], strides = [1, 1]} : vector<64x8xf32> to vector<64x5xf32>
      %eq3A_39 = vector.broadcast %convert_element_type3A_35 : vector<64x1xf32> to vector<64x5xf32>
      %eq3A_40 = arith.cmpf oeq, %slice3A, %eq3A_39 : vector<64x5xf32>
      %convert_element_type3A_41 = arith.extui %eq3A_40 : vector<64x5xi1> to vector<64x5xi32>
      %convert_element_type3A_42 = arith.sitofp %convert_element_type3A_41 : vector<64x5xi32> to vector<64x5xf32>
      %reduce_sum3A = vector.shape_cast %convert_element_type3A_42 : vector<64x5xf32> to vector<1x64x5xf32>
      %reduce_sum3A_43 = arith.constant dense<0.000000e+00> : vector<1xf32>
      %reduce_sum3A_44 = vector.multi_reduction <add>, %reduce_sum3A, %reduce_sum3A_43 [1, 2] : vector<1x64x5xf32> to vector<1xf32>
      %reduce_sum3A_45 = vector.shape_cast %reduce_sum3A_44 : vector<1xf32> to vector<1x1x1xf32>
      %reduce_sum3A_46 = vector.extract %reduce_sum3A_45[0, 0, 0] : f32 from vector<1x1x1xf32>
      %broadcast_in_dim3A_47 = vector.broadcast %reduce_sum3A_46 : f32 to vector<1x1xf32>
      %swap3A_48 = arith.constant 0 : index
      %swap3A_49 = arith.constant 0 : index
      %swap3A_50 = vector.load %arg12[%swap3A_48, %swap3A_49] : memref<1x1xf32, #tpu.memory_space<vmem>>, vector<1x1xf32>
      tpu.vector_store %arg12[%swap3A_48, %swap3A_49], %broadcast_in_dim3A_47 {strides = array<i32>} : memref<1x1xf32, #tpu.memory_space<vmem>>, vector<1x1xf32>,
    } else {
    }
    return
  }
  func.func @transform_0(%arg0: i32) -> (i32, i32) {
    %c0_i32 = arith.constant 0 : i32
    %c0_i32_0 = arith.constant 0 : i32
    %c0_i32_1 = arith.constant 0 : i32
    return %c0_i32, %c0_i32_0 : i32, i32
  }
  func.func @transform_1(%arg0: i32) -> (i32, i32) {
    %c0_i32 = arith.constant 0 : i32
    %c0_i32_0 = arith.constant 0 : i32
    %c0_i32_1 = arith.constant 0 : i32
    return %c0_i32, %c0_i32_0 : i32, i32
  }
  func.func @transform_2(%arg0: i32) -> (i32, i32) {
    %c0_i32 = arith.constant 0 : i32
    %c0_i32_0 = arith.constant 0 : i32
    %c0_i32_1 = arith.constant 0 : i32
    return %c0_i32, %c0_i32_0 : i32, i32
  }
  func.func @transform_3(%arg0: i32) -> (i32, i32) {
    %c0_i32 = arith.constant 0 : i32
    %c0_i32_0 = arith.constant 0 : i32
    %c0_i32_1 = arith.constant 0 : i32
    return %c0_i32, %c0_i32_0 : i32, i32
  }
  func.func @transform_4(%arg0: i32) -> (i32, i32) {
    %min3A = arith.constant 31 : i32
    %min3A_0 = arith.minsi %arg0, %min3A : i32
    %c0_i32 = arith.constant 0 : i32
    %c0_i32_1 = arith.constant 0 : i32
    return %min3A_0, %c0_i32 : i32, i32
  }
  func.func @transform_5(%arg0: i32) -> (i32, i32) {
    %min3A = arith.constant 31 : i32
    %min3A_0 = arith.minsi %arg0, %min3A : i32
    %c0_i32 = arith.constant 0 : i32
    %c0_i32_1 = arith.constant 0 : i32
    return %min3A_0, %c0_i32 : i32, i32
  }
  func.func @transform_6(%arg0: i32) -> (i32, i32, i32) {
    %min3A = arith.constant 31 : i32
    %min3A_0 = arith.minsi %arg0, %min3A : i32
    %c0_i32 = arith.constant 0 : i32
    %c0_i32_1 = arith.constant 0 : i32
    %c0_i32_2 = arith.constant 0 : i32
    return %min3A_0, %c0_i32, %c0_i32_1 : i32, i32, i32
  }
  func.func @transform_7(%arg0: i32) -> (i32, i32) {
    %c0_i32 = arith.constant 0 : i32
    %c0_i32_0 = arith.constant 0 : i32
    return %c0_i32, %arg0 : i32, i32
  }
  func.func @transform_8(%arg0: i32) -> (i32, i32) {
    %min3A = arith.constant 31 : i32
    %min3A_0 = arith.minsi %arg0, %min3A : i32
    %c0_i32 = arith.constant 0 : i32
    %c0_i32_1 = arith.constant 0 : i32
    return %min3A_0, %c0_i32 : i32, i32
  }
  func.func @transform_9(%arg0: i32) -> (i32, i32) {
    %min3A = arith.constant 31 : i32
    %min3A_0 = arith.minsi %arg0, %min3A : i32
    %c0_i32 = arith.constant 0 : i32
    %c0_i32_1 = arith.constant 0 : i32
    return %min3A_0, %c0_i32 : i32, i32
  }
  func.func @transform_10(%arg0: i32) -> (i32, i32) {
    %c0_i32 = arith.constant 0 : i32
    %c0_i32_0 = arith.constant 0 : i32
    %c0_i32_1 = arith.constant 0 : i32
    return %c0_i32, %c0_i32_0 : i32, i32
  }
  func.func @transform_11(%arg0: i32) -> (i32, i32) {
    %c0_i32 = arith.constant 0 : i32
    %c0_i32_0 = arith.constant 0 : i32
    %c0_i32_1 = arith.constant 0 : i32
    return %c0_i32, %c0_i32_0 : i32, i32
  }
}

</mosaic_0001>

<sc_bundles>
// kernel: kernel.4.cloned.1.call-start
scs
__scs_entry_jumppad:
0x0: {  	(pc) =	sbr.rel $0x88, $3  }
0x1: {  	(tag) =	ssettag $0x0;
	lr =	simm.s32 $0x1  }
0x2: {  	[smem:$0x3F9A] =	sst lr;
	_ =	strace $0xD0000000  }
0x3: {  	_ = 	snop  }
0x4: {  	_ = 	snop  }
0x5: {  	_ = 	snop  }
0x6: {  	_ = 	snop  }
0x7: {  	_ = 	snop  }
__scs_overlays_trampoline_lowered:
0x8: {  	[smem:$0x3FA9] =	sst s0  }
0x9: {  	[smem:$0x3FAA] =	sst s1  }
0xa: {  	[smem:$0x3FAB] =	sst s2  }
0xb: {  	[smem:$0x3FAC] =	sst s3  }
0xc: {  	[smem:$0x3FAD] =	sst s4  }
0xd: {  	[smem:$0x3FAE] =	sst s5  }
0xe: {  	[smem:$0x3FAF] =	sst s6  }
0xf: {  	[smem:$0x3FB0] =	sst s7  }
0x10: {  	[smem:$0x3FB1] =	sst s8  }
0x11: {  	[smem:$0x3FB2] =	sst s9;
	s0 =	simm.s32 @!p0 $0x0  }
0x12: {  	s1 =	sld [smem:$0x3F98];
	s0 =	simm.s32 @p0 $0x1  }
0x13: {  	[smem:$0x3FB3] =	sst s0;
	s0 =	simm.s32 @!p1 $0x0  }
0x14: {  	s2 =	sld [smem:$0x3F97];
	s0 =	simm.s32 @p1 $0x1  }
0x15: {  	[smem:$0x3FB4] =	sst s0;
	s0 =	simm.s32 @!p2 $0x0  }
0x16: {  	s3 =	sld [smem:$0x3FDB];
	s0 =	simm.s32 @p2 $0x1  }
0x17: {  	s4 =	simm.s32 $0x1BF5;
	[smem:$0x3FB6] =	sst s0  }
0x18: {  	s0 =	sld [smem:$0x3F99];
	_ =	swait.ge [sflag:s4], $0x0  }
0x19: {  	s7 =	sld [smem:$0x3F9A]  }
0x1a: {  	s8 =	sadd.s32 $0xFFFFE003, lr  }
0x1b: {  	s9 =	sadd.s32 $0xFFFFFEF7, lr;
	s5 =	simm.s32 $0xFFFFFFFF;
	p2 =	slt.u32 s8, $0xFFFFF086  }
0x1c: {  	p1 =	slt.u32 s9, $0xF7A;
	s5 =	simm.s32 @!p2 $0x0  }
0x1d: {  	s5 =	simm.s32 @p1 $0x1;
	p0 =	seq.s32 s7, s2  }
0x1e: {  	s7 =	smul.u32 @!p0 $0xF7A, s2;
	p2 =	seq.s32 @!p0 s5, $0x0  }
0x1f: {  	s9 =	smul.u32 $0xF7A, s1;
	s8 =	simm.s32 @!p0 $0x1BF5;
	p2 =	por !p2, p0  }
0x20: {  	[sflag:s8] =	ssyncset.s32 @!p0 $0xFFFFF086;
	s6 =	sadd.s32 @!p0 s3, s7;
	s7 =	simm.s32 @!p0 $0x108  }
0x21: {  	s3 =	sadd.s32 s3, s9;
	s6 =	sadd.s32 @!p0 $0x88, s6;
	s7 =	simm.s32 @p2 $0x1082  }
0x22: {  	[simem:s7], [sflag:s8] =	dma.local @!p0 [hbm:s6], $0xF7A  }
0x23: {  	s9 =	sor.u32 $0xD0000000, s2;
	s6 =	simm.s32 $0x108;
	_ =	swait.ge @!p0 [sflag:s8], $0x0  }
0x24: {  	s3 =	sadd.s32 $0x88, s3;
	s6 =	simm.s32 @!p1 $0x1082;
	[sflag:s4] =	ssyncset.s32 $0xFFFFF086  }
0x25: {  	[simem:s6], [sflag:s4] =	dma.local [hbm:s3], $0xF7A  }
0x26: {  	[smem:$0x3F9A] =	sst s1;
	(tag) =	ssettag s2;
	_ =	strace s9  }
0x27: {  	s1 =	sld [smem:$0x3FAA]  }
0x28: {  	s2 =	sld [smem:$0x3FAB]  }
0x29: {  	s4 =	sld [smem:$0x3FAD]  }
0x2a: {  	p0 =	seq.s32 s5, $0x0;
	s5 =	sld [smem:$0x3FAE]  }
0x2b: {  	s6 =	sld [smem:$0x3FAF]  }
0x2c: {  	s7 =	sld [smem:$0x3FB0]  }
0x2d: {  	s3 =	simm.s32 $0x108;
	s8 =	sld [smem:$0x3FB1]  }
0x2e: {  	s3 =	simm.s32 @!p0 $0x1082;
	s9 =	sld [smem:$0x3FB2]  }
0x2f: {  	lr =	sadd.s32 s0, s3;
	s0 =	sld [smem:$0x3FA9]  }
0x30: {  	s3 =	sld [smem:$0x3FAC]  }
0x31: {  	[smem:$0x3FB5] =	sst s10  }
0x32: {  	s10 =	sld [smem:$0x3FB3];
	_ =	sdelay $0x3  }
0x33: {  	p0 =	seq.s32 s10, $0x1;
	s10 =	sld [smem:$0x3FB5];
	_ =	sdelay $0x3  }
0x34: {  	[smem:$0x3FB5] =	sst s10  }
0x35: {  	s10 =	sld [smem:$0x3FB4];
	_ =	sdelay $0x3  }
0x36: {  	p1 =	seq.s32 s10, $0x1;
	s10 =	sld [smem:$0x3FB5];
	_ =	sdelay $0x3  }
0x37: {  	[smem:$0x3FB5] =	sst s10  }
0x38: {  	s10 =	sld [smem:$0x3FB6]  }
0x39: {  	_ = 	snop;
	(pc) =	sbr.ind lr, $3  }
0x3a: {  	_ = 	snop  }
0x3b: {  	_ = 	snop  }
0x3c: {  	p2 =	seq.s32 s10, $0x1;
	s10 =	sld [smem:$0x3FB5]  }
0x3d: {  	_ =	shalt  }
0x3e: {  	_ =	shalt  }
0x3f: {  	_ =	shalt  }
0x40: {  	_ =	shalt  }
0x41: {  	_ =	shalt  }
0x42: {  	_ =	shalt  }
0x43: {  	_ =	shalt  }
0x44: {  	_ =	shalt  }
0x45: {  	_ =	shalt  }
0x46: {  	_ =	shalt  }
0x47: {  	_ =	shalt  }
0x48: {  	_ =	shalt  }
0x49: {  	_ =	shalt  }
0x4a: {  	_ =	shalt  }
0x4b: {  	_ =	shalt  }
0x4c: {  	_ =	shalt  }
0x4d: {  	_ =	shalt  }
0x4e: {  	_ =	shalt  }
0x4f: {  	_ =	shalt  }
0x50: {  	_ =	shalt  }
0x51: {  	_ =	shalt  }
0x52: {  	_ =	shalt  }
0x53: {  	_ =	shalt  }
0x54: {  	_ =	shalt  }
0x55: {  	_ =	shalt  }
0x56: {  	_ =	shalt  }
0x57: {  	_ =	shalt  }
0x58: {  	_ =	shalt  }
0x59: {  	_ =	shalt  }
0x5a: {  	_ =	shalt  }
0x5b: {  	_ =	shalt  }
0x5c: {  	_ =	shalt  }
0x5d: {  	_ =	shalt  }
0x5e: {  	_ =	shalt  }
0x5f: {  	_ =	shalt  }
0x60: {  	_ =	shalt  }
0x61: {  	_ =	shalt  }
0x62: {  	_ =	shalt  }
0x63: {  	_ =	shalt  }
0x64: {  	_ =	shalt  }
0x65: {  	_ =	shalt  }
0x66: {  	_ =	shalt  }
0x67: {  	_ =	shalt  }
0x68: {  	_ =	shalt  }
0x69: {  	_ =	shalt  }
0x6a: {  	_ =	shalt  }
0x6b: {  	_ =	shalt  }
0x6c: {  	_ =	shalt  }
0x6d: {  	_ =	shalt  }
0x6e: {  	_ =	shalt  }
0x6f: {  	_ =	shalt  }
0x70: {  	_ =	shalt  }
0x71: {  	_ =	shalt  }
0x72: {  	_ =	shalt  }
0x73: {  	_ =	shalt  }
0x74: {  	_ =	shalt  }
0x75: {  	_ =	shalt  }
0x76: {  	_ =	shalt  }
0x77: {  	_ =	shalt  }
0x78: {  	_ =	shalt  }
0x79: {  	_ =	shalt  }
0x7a: {  	_ =	shalt  }
0x7b: {  	_ =	shalt  }
0x7c: {  	_ =	shalt  }
0x7d: {  	_ =	shalt  }
0x7e: {  	_ =	shalt  }
0x7f: {  	_ =	shalt  }
0x80: {  	_ =	shalt  }
0x81: {  	_ =	shalt  }
0x82: {  	_ =	shalt  }
0x83: {  	_ =	shalt  }
0x84: {  	_ =	shalt  }
0x85: {  	_ =	shalt  }
0x86: {  	_ =	shalt  }
0x87: {  	_ =	shalt  }
.Lfunc_end0:
.L_simem_size_0:
called_computation_lowered:
.L_overlay_start_0:
0x88: {  	s2 =	sld [smem:$0x3FD9]  }
0x89: {  	s3 =	sld [smem:$0x3FFE];
	_ =	sdelay $0x1  }
0x8a: {  	s1 =	srdreg.scid  }
0x8b: {  	s0 =	sand.u32 $0x1, s1  }
0x8c: {  	s14 =	sshll.u32 s0, $0xA;
	s2 =	sadd.s32 s3, s2  }
0x8d: {  	s2 =	sadd.s32 s2, s14  }
0x8e: {  	[smem:$0x3FC1] =	sst s2  }
0x8f: {  	_ = 	snop  }
0x90: {  	s2 =	sld [smem:$0x3FD0];
	_ =	sdelay $0x1  }
0x91: {  	s15 =	sld [smem:$0x3FC6]  }
0x92: {  	s5 =	simm.s32 $0xA;
	s6 =	simm.s32 $0x10;
	s4 =	sld [smem:$0x3FC3]  }
0x93: {  	[smem:s6], [sflag:s5] =	dma.local [hbm:s2], $0x1  }
0x94: {  	_ =	swait.eq [sflag:s5], $0x1  }
0x95: {  	[sflag:s5] =	ssyncset.done $0x0  }
0x96: {  	s16 =	sld [smem:$0x11];
	[sflag:s5] =	ssyncadd.s32 $0xFFFFFFFF  }
0x97: {  	s17 =	sld [smem:$0x15];
	(tm) =	ssettm $0x1  }
0x98: {  	s18 =	sld [smem:$0x3FFB];
	_ =	sdelay $0x3  }
0x99: {  	_ =	strace s18  }
0x9a: {  	s6 =	sld [smem:$0x3FFC];
	_ =	sdelay $0x3  }
0x9b: {  	_ =	strace s6  }
0x9c: {  	s6 =	sld [smem:$0x3FFD];
	_ =	sdelay $0x3  }
0x9d: {  	_ =	strace s6  }
0x9e: {  	_ =	strace $0x8FFFFFFF  }
0x9f: {  	s19 =	sld [smem:$0x3FDB];
	_ =	sdelay $0x1  }
0xa0: {  	s7 =	simm.s32 $_scs_section_size  }
0xa1: {  	s8 =	simm.s32 $_size__tile_overlayer_lowered;
	s9 =	simm.s32 $_tile_overlayer_lowered  }
0xa2: {  	s22 =	simm.s32 $0x1BFF;
	s21 =	sshll.u32 s9, $0x1;
	s6 =	sadd.s32 s7, s19  }
0xa3: {  	s10 =	simm.s32 $0x0;
	s20 =	sshll.u32 s8, $0x1;
	s8 =	sadd.s32 s21, s6  }
0xa4: {  	[timem:s10], [sflag:s22] =	dma.local [hbm:s8], s20  }
0xa5: {  	_ =	swait.ge [sflag:s22], s20  }
0xa6: {  	s7 =	ssub.s32 $0x0, s20;
	[sflag:s22] =	ssyncset.done $0x0  }
0xa7: {  	[sflag:s22] =	ssyncadd.s32 s7;
	_ =	sdelay $0x1  }
0xa8: {  	s23 =	simm.s32 $0x1B8B  }
0xa9: {  	_ =	swait.ge [sflag:s23], $0x1  }
0xaa: {  	[sflag:s23] =	ssyncset.done $0x0  }
0xab: {  	s25 =	simm.s32 $0x1B8E;
	s24 =	sld [smem:$0x3FFE];
	[sflag:s23] =	ssyncadd.s32 $0xFFFFFFFF  }
0xac: {  	s26 =	simm.s32 $execute0_lowered;
	[smem:$0x3FD2] =	sst s25  }
0xad: {  	s8 =	sshll.u32 s26, $0x1;
	_ =	strace $0x80000046;
	[dreg:$0x1] =	wrdreg $0xFFFFFFFF  }
0xae: {  	s28 =	simm.s32 $_size_execute0_lowered;
	s6 =	sadd.s32 s6, s8;
	[dreg:$0x0] =	wrdreg $0x0  }
0xaf: {  	s8 =	sshll.u32 s28, $0x1;
	[dreg:$0x2] =	wrdreg s6  }
0xb0: {  	[dreg:$0x3] =	wrdreg s8  }
0xb1: {  	[dreg:$0x4] =	wrdreg $0xC0  }
0xb2: {  	_ =	task [dreg:s10], $0x5FFFF  }
0xb3: {  	[dreg:$0x1] =	wrdreg $0xFFFFFFFF  }
0xb4: {  	[dreg:$0x0] =	wrdreg $0x60  }
0xb5: {  	[dreg:$0x2] =	wrdreg s24  }
0xb6: {  	[dreg:$0x3] =	wrdreg s15  }
0xb7: {  	[dreg:$0x4] =	wrdreg s4  }
0xb8: {  	[dreg:$0x5] =	wrdreg s16  }
0xb9: {  	[dreg:$0x6] =	wrdreg s17  }
0xba: {  	[dreg:$0x7] =	wrdreg $0x9  }
0xbb: {  	_ =	task.clear_ibuf [dreg:s10], $0x8FFFF;
	_ =	strace $0x90000046  }
0xbc: {  	s29 =	simm.s32 $0x9;
	_ =	strace $0x80000048  }
0xbd: {  	_ =	swait.ge [sflag:s29], $0x1  }
0xbe: {  	[sflag:s29] =	ssyncadd.s32 $0xFFFFFFFF  }
0xbf: {  	_ =	strace $0x90000048  }
0xc0: {  	_ =	sfence  }
0xc1: {  	s30 =	sld [smem:$0x0];
	_ =	sdelay $0x2  }
0xc2: {  	s31 =	sshll.u32 s1, $0xD;
	s1 =	sshrl.u32 s1, $0x2  }
0xc3: {  	s3 =	sand.u32 $0x4000, s31;
	s1 =	sadd.s32 s1, s30  }
0xc4: {  	s0 =	sor.u32 s3, s0;
	s1 =	sshll.u32 s1, $0x11  }
0xc5: {  	s0 =	sor.u32 s1, s0  }
0xc6: {  	s0 =	sadd.s32 $0x8F2B, s0  }
0xc7: {  	[sflag:s0] =	ssyncadd.remote.s32 $0x1  }
0xc8: {  	_ =	sfence.sel $0xFFFF  }
0xc9: {  	[dreg:$0x0] =	wrdreg $0xFFFFFFFF;
	(pc) =	sbr.abs _section_cstart, $3  }
0xca: {  	[dreg:$0x1] =	wrdreg $0xFFFFFFFF  }
0xcb: {  	_ =	task.clear_ibuf [dreg:s10], $0x2FFFF;
	_ =	strace $0x9FFFFFFF  }
0xcc: {  	(tm) =	ssettm $0x7FFFFFFF  }
0xcd: {  	_ =	shalt  }
tec
execute0_lowered:
.L_overlay_start_1:
0x0: {  	(tag) =	ssettag $0x1  }
0x1: {  	s4 =	rddreg [dreg:$0x0]  }
0x2: {  	s1 =	rddreg [dreg:$0x1]  }
0x3: {  	s5 =	rddreg [dreg:$0x2]  }
0x4: {  	s8 =	rddreg [dreg:$0x3]  }
0x5: {  	s6 =	rddreg [dreg:$0x4]  }
0x6: {  	s0 =	rddreg [dreg:$0x5];
	s3 =	simm.s32 $0x0;
	s7 =	srdreg.scid  }
0x7: {  	s2 =	stileid.u32;
	s15 =	simm.s32 $0x400;
	s17 =	simm.s32 $0x0  }
0x8: {  	[smem:$0x7FF] =	sst s3;
	s7 =	sand.u32 $0x1, s7;
	s10 =	sshll.u32 s2, $0x1  }
0x9: {  	s4 =	sadd.s32 $0x1200, s4;
	s12 =	sshll.u32 s2, $0x12;
	s9 =	ssub.s32 $0x2, s7  }
0xa: {  	_ =	strace $0x80000047;
	s10 =	sor.u32 s7, s10;
	s11 =	sshrl.u32 s9, $0x1  }
0xb: {  	s7 =	sshll.u32 s10, $0x8;
	s13 =	sshllo.u32 s10, $0x1;
	s31 =	sshll.u32 s10, $0x7  }
0xc: {  	p0 =	sne.s32 s10, $0x0;
	s10 =	simm.s32 $0x10480;
	s9 =	ssub.s32 s9, s11  }
0xd: {  	s28 =	sor.u32 s12, s7;
	s14 =	sshll.u32 s13, $0x7;
	s5 =	sadd.s32 s5, s7  }
0xe: {  	s6 =	sadd.s32 s6, s7;
	s16 =	sshll.u32 s13, $0x6;
	s13 =	sshrl.u32 s31, $0x2  }
0xf: {  	s11 =	sand.u32 $0x380300, s28;
	s12 =	sor.u32 s12, s14;
	s9 =	smax.u32 s9, $0x1  }
0x10: {  	s14 =	simm.s32 $0x80;
	s16 =	sshrl.u32 s16, $0x2;
	s30 =	sand.u32 $0x380380, s12  }
0x11: {  	s29 =	sshrl.u32 s11, $0x3;
	s12 =	simm.s32 $0x10000;
	s11 =	sshrl.u32 s30, $0x3  }
0x12: {  	v0 =	vimm.f32 $0.0e+00;
	v1 =	vimm.f32 $1.000000000e+00;
	s7 =	sadd.s32 s8, s29;
	s8 =	sadd.s32 s8, s11;
	s11 =	simm.s32 $0x1  }
.LBB2_1:
0x13: {  	[tilespmem:s10], [sflag:$0x1] =	stream.linear.gather [hbm4b:s5+s3], $0x800, $0x38;
	[tilespmem:$0x10C80] =	vst v63  }
0x14: {  	_ =	swait.ge [sflag:s11], $0x800  }
0x15: {  	[sflag:s11] =	ssyncset.done $0x0  }
0x16: {  	s18 =	simm.s32 @!p0 $0x0;
	s19 =	simm.s32 @!p0 $0x10400;
	[sflag:s11] =	ssyncadd.s32 $0xFFFFF800  }
0x17: {  	[tilespmem:s19], [sflag:$0x1] =	stream.linear.gather @!p0 [hbm4b:s1+s18], $0x80, $0x38;
	[tilespmem:$0x10C80] =	vst v63  }
0x18: {  	s18 =	simm.s32 @!p0 $0x1  }
0x19: {  	_ =	swait.ge @!p0 [sflag:s18], $0x80  }
0x1a: {  	[sflag:s18] =	ssyncset.done @!p0 $0x0  }
0x1b: {  	[sflag:s18] =	ssyncadd.s32 @!p0 $0xFFFFFF80  }
0x1c: {  	v2 =	vld @!p0 [tilespmem:$0x10400]  }
0x1d: {  	v3 =	vld @!p0 [tilespmem:$0x10410]  }
0x1e: {  	v4 =	vld @!p0 [tilespmem:$0x10420]  }
0x1f: {  	v5 =	vld @!p0 [tilespmem:$0x10430];
	_ =	sdelay $0x1  }
0x20: {  	[tilespmem:$0x10480] =	vst @!p0 v2  }
0x21: {  	[tilespmem:$0x10490] =	vst @!p0 v3  }
0x22: {  	[tilespmem:$0x104A0] =	vst @!p0 v4  }
0x23: {  	[tilespmem:$0x104B0] =	vst @!p0 v5  }
0x24: {  	[hbm4b:s6+s3] =	stream.linear.scatter [tilespmem:s10], [sflag:$0x1], $0x800, $0x38;
	[tilespmem:$0x10C80] =	vst v63  }
0x25: {  	_ =	swait.ge [sflag:s11], $0x800  }
0x26: {  	[sflag:s11] =	ssyncset.done $0x0  }
0x27: {  	[sflag:s11] =	ssyncadd.s32 $0xFFFFF800  }
0x28: {  	[tilespmem:s12], [sflag:$0x1] =	stream.linear.gather [hbm4b:s4+s3], $0x400, $0x38;
	[tilespmem:$0x10C80] =	vst v63  }
0x29: {  	_ =	swait.ge [sflag:s11], $0x400  }
0x2a: {  	[sflag:s11] =	ssyncset.done $0x0  }
0x2b: {  	s18 =	simm.s32 $0x40;
	[sflag:s11] =	ssyncadd.s32 $0xFFFFFC00  }
0x2c: {  	[tilespmem:s18+$0xFFFFFFC0] =	vst v0  }
0x2d: {  	[tilespmem:s18+$0x30] =	vst v0  }
0x2e: {  	[tilespmem:s18+$0x20] =	vst v0  }
0x2f: {  	[tilespmem:s18+$0x10] =	vst v0  }
0x30: {  	[tilespmem:s18+$0x0] =	vst v0  }
0x31: {  	[tilespmem:s18+$0xFFFFFFF0] =	vst v0  }
0x32: {  	s19 =	simm.s32 $0x0;
	[tilespmem:s18+$0xFFFFFFE0] =	vst v0  }
.LBB2_2:
0x33: {  	s19 =	sadd.s32 $0x8, s19;
	[tilespmem:s18+$0xFFFFFFD0] =	vst v0;
	s18 =	sadd.s32 $0x80, s18  }
0x34: {  	[tilespmem:s18+$0xFFFFFFC0] =	vst v0;
	p1 =	slt.u32 s19, $0xFF8  }
0x35: {  	[tilespmem:s18+$0x30] =	vst v0  }
.Ltmp0:
0x36: {  	[tilespmem:s18+$0x20] =	vst v0;
	(pc) =	sbr.rel @p1 .LBB2_2-.Ltmp0, $4  }
0x37: {  	[tilespmem:s18+$0x10] =	vst v0  }
0x38: {  	[tilespmem:s18+$0x0] =	vst v0  }
0x39: {  	[tilespmem:s18+$0xFFFFFFF0] =	vst v0  }
0x3a: {  	[tilespmem:s18+$0xFFFFFFE0] =	vst v0  }
0x3b: {  	[tilespmem:s18+$0xFFFFFFD0] =	vst v0  }
0x3c: {  	v2 =	vld [tilespmem:s13+$0x10000];
	_ =	sdelay $0x7  }
0x3d: {  	[tilespmem:v2+s3+$0x0] =	vst.idx.msk $0x1f, v1  }
0x3e: {  	[hbm4b:s7+s14] =	stream.strided.scatter [tilespmem:s3], [sflag:$0x1], $0x10000, s15, s14, $0x38;
	[tilespmem:$0x10C80] =	vst v63  }
0x3f: {  	_ =	swait.ge [sflag:s11], $0x10000  }
0x40: {  	[sflag:s11] =	ssyncset.done $0x0  }
0x41: {  	[sflag:s11] =	ssyncadd.s32 $0xFFFF0000  }
0x42: {  	[tilespmem:v2+s3+$0x0] =	vst.idx.msk $0x1f, v0  }
0x43: {  	v2 =	vld [tilespmem:s16+$0x10000];
	_ =	sdelay $0x6  }
0x44: {  	s17 =	sadd.s32 $0x1, s17  }
0x45: {  	p1 =	sne.s32 s17, s9;
	[tilespmem:v2+s3+$0x0] =	vst.idx.msk $0x1f, v1  }
0x46: {  	[hbm4b:s8+s14] =	stream.strided.scatter [tilespmem:s3], [sflag:$0x1], $0x10000, s15, s14, $0x38;
	[tilespmem:$0x10C80] =	vst v63  }
.Ltmp1:
0x47: {  	_ = 	snop;
	(pc) =	sbr.rel @p1 .LBB2_1-.Ltmp1, $4  }
0x48: {  	_ =	swait.ge [sflag:s11], $0x10000  }
0x49: {  	[sflag:s11] =	ssyncset.done $0x0  }
0x4a: {  	[sflag:s11] =	ssyncadd.s32 $0xFFFF0000  }
0x4b: {  	[tilespmem:v2+s3+$0x0] =	vst.idx.msk $0x1f, v0  }
0x4c: {  	_ =	sfence.sel $0x180000  }
0x4d: {  	[bflag:$0x0] =	sbarrier.arrive $0xFFFF  }
0x4e: {  	p0 =	sne.s32 s2, $0x0;
	_ =	strace $0x90000047  }
0x4f: {  	s0 =	sadd.s32 @!p0 $0x100000, s0;
	[bflag:$0x2] =	sbarrier.arrive $0xFFFF  }
0x50: {  	[sflag:s0] =	ssyncadd.tile.s32 @!p0 $0x1;
	_ =	shalt  }
.Lfunc_end2:
_tile_overlayer_lowered:
.L_overlay_start_2:
0x51: {  	(tag) =	ssettag $0x2  }
0x52: {  	s0 =	rddreg [dreg:$0x0];
	s2 =	stileid.u32  }
0x53: {  	s1 =	rddreg [dreg:$0x1];
	p0 =	sne.s32 s2, $0x0  }
0x54: {  	s3 =	rddreg [dreg:$0x2];
	[bflag:$0x3] =	sbarrier.arrive $0xFFFF;
	s2 =	simm.s32 @!p0 $0x1C01  }
0x55: {  	[timem:s3], [sflag:s2] =	dma.local @!p0 [hbm:s0], s1  }
0x56: {  	s0 =	simm.s32 @!p0 $0x1  }
0x57: {  	_ =	swait.ge @!p0 [sflag:s0], s1  }
0x58: {  	s1 =	ssub.s32 @!p0 $0x0, s1;
	[sflag:s0] =	ssyncset.done @!p0 $0x0  }
0x59: {  	[sflag:s0] =	ssyncadd.s32 @!p0 s1  }
0x5a: {  	[bflag:$0x3] =	sbarrier.arrive $0xFFFF  }
0x5b: {  	_ =	shalt  }

</sc_bundles>
